<compile_context>
chip_gen: v7x
topology: tpu7x:2x2x1
jax: 0.10.2.dev20260603
libtpu: 0.0.44.dev20260713+nightly
codegen_flags: <defaults>
</compile_context>

<pallas_src>
import jax
import jax.numpy as jnp
from jax import lax
from jax.experimental import pallas as pl
from jax.experimental.pallas import tpu as pltpu
from jax.experimental.pallas import tpu_sc as plsc

D_MODEL = 128
NC = 2
NS = 16
NW = NC * NS

G = 128
NCHUNK = 200
NB = 4
AHEAD = NB - 1
SPH = 1
RB = 2
NGROUP = NCHUNK // SPH


def _emb_body(x_hbm, table_hbm, out_hbm, idx_v, shr, *scratch):
    rows = scratch[:NB]
    wsem = scratch[NB:2 * NB]
    dsem = scratch[2 * NB:2 * NB + RB]
    gsem = scratch[2 * NB + RB:]
    cc = lax.axis_index("c")
    ss = lax.axis_index("s")
    wid = ss * NC + cc
    pltpu.sync_copy(x_hbm.at[wid], idx_v)
    base = wid * (NCHUNK * G)

    def fire_g(ci, b):
        pltpu.async_copy(table_hbm.at[idx_v.at[ci]], rows[b], gsem[b])

    def wait_g(b):
        pltpu.make_async_copy(table_hbm.at[pl.ds(0, G)], rows[b], gsem[b]).wait()

    def fire_x(b, r):
        pltpu.async_copy(rows[b], shr.at[ss, r], wsem[b])

    def wait_x(b):
        pltpu.make_async_copy(rows[b], shr.at[ss, 0], wsem[b]).wait()

    def fire_d(gi, r):
        pltpu.async_copy(
            shr.at[ss, r], out_hbm.at[pl.ds(base + gi * SPH * G, SPH * G)], dsem[r])

    def wait_d(r):
        pltpu.make_async_copy(
            shr.at[ss, r], out_hbm.at[pl.ds(base, SPH * G)], dsem[r]).wait()

    for b in range(AHEAD):
        fire_g(b, b)

    def make_step(first=False, last=False):
        def step(s, carry):
            for b in range(NB):
                ci = s * NB + b
                r = b % RB
                wait_g(b)
                if not (first and b == 0):
                    wait_x((b + NB - 1) % NB)
                    pltpu.async_copy(
                        shr.at[ss, (r + RB - 1) % RB],
                        out_hbm.at[pl.ds(base + (ci - 1) * G, G)],
                        dsem[(r + RB - 1) % RB])
                if (not first) or b >= RB:
                    wait_d(r)
                fire_x(b, r)
                if (not last) or (ci + AHEAD < NCHUNK):
                    fire_g(ci + AHEAD, (b + NB - 1) % NB)
            return carry
        return step

    make_step(first=True)(0, 0)
    lax.fori_loop(1, NCHUNK // NB - 1, make_step(), 0)
    make_step(last=True)(NCHUNK // NB - 1, 0)

    wait_x((NCHUNK - 1) % NB)
    fire_d(NGROUP - 1, (NGROUP - 1) % RB)
    wait_d((NGROUP - 2) % RB)
    wait_d((NGROUP - 1) % RB)


@jax.jit
def _emb(xf, table):
    mesh = plsc.VectorSubcoreMesh(core_axis_name="c", subcore_axis_name="s")
    kern = pl.kernel(
        _emb_body,
        out_type=jax.ShapeDtypeStruct((NW * NCHUNK * G, D_MODEL), jnp.float32),
        mesh=mesh,
        scratch_types=(
            [pltpu.VMEM((NCHUNK, G), jnp.int32),
             pltpu.VMEM_SHARED((NS, RB, SPH * G, D_MODEL), jnp.float32)]
            + [pltpu.VMEM((G, D_MODEL), jnp.float32) for _ in range(NB)]
            + [pltpu.SemaphoreType.DMA for _ in range(NB + RB + NB)]
        ),
    )
    return kern(xf, table)


def kernel(x, table):
    b, t = x.shape
    xf = x.reshape(NW, NCHUNK, G).astype(jnp.int32)
    out = _emb(xf, table)
    return out.reshape(b, t, D_MODEL)

# --- scband reference (transcript-rebuilt; emitter-appended) ---
"""Pipeline reference for scband-embedder-10651518894945 (READ-ONLY COPY).

The authoritative reference and input builder live on the scoring server;
editing this copy changes nothing except your own understanding.
"""

import jax, jax.numpy as jnp
import numpy as np

VOCAB = 1000000
D_MODEL = 128

def setup_inputs(seed: int = 0) -> dict:
    key = jax.random.key(seed)
    k_idx, k_tab = jax.random.split(key)
    x = jax.random.randint(k_idx, (4096, 200), 0, VOCAB, dtype=jnp.int64 if jax.config.jax_enable_x64 else jnp.int32)
    table = jax.random.normal(k_tab, (VOCAB, D_MODEL), dtype=jnp.float32)
    return {"x": x, "table": table}

def reference(x, table):
    # nn.Embedding forward: row gather from the embedding table
    return jnp.take(table, x, axis=0)

if __name__ == "__main__":
    import jax
    _d = setup_inputs()
    print(jax.jit(kernel)(*tuple(_d.values())))

</pallas_src>

<mosaic_0001>
#map = affine_map<(d0, d1) -> (0, 0, 0)>
#map1 = affine_map<(d0, d1) -> (0, 0)>
module attributes {stable_mosaic.version = 14 : i64} {
  func.func @_emb_body(%arg0: i32, %arg1: i32, %arg2: memref<32x200x128xi32, #tpu.memory_space<hbm>>, %arg3: memref<1000000x128xf32, #tpu.memory_space<hbm>>, %arg4: memref<819200x128xf32, #tpu.memory_space<hbm>>, %arg5: memref<200x128xi32, #tpu.memory_space<vmem>>, %arg6: memref<16x2x128x128xf32, #tpu.memory_space<vmem_shared>>, %arg7: memref<128x128xf32, #tpu.memory_space<vmem>>, %arg8: memref<128x128xf32, #tpu.memory_space<vmem>>, %arg9: memref<128x128xf32, #tpu.memory_space<vmem>>, %arg10: memref<128x128xf32, #tpu.memory_space<vmem>>, %arg11: memref<!tpu.dma_semaphore, #tpu.memory_space<semaphore_mem>>, %arg12: memref<!tpu.dma_semaphore, #tpu.memory_space<semaphore_mem>>, %arg13: memref<!tpu.dma_semaphore, #tpu.memory_space<semaphore_mem>>, %arg14: memref<!tpu.dma_semaphore, #tpu.memory_space<semaphore_mem>>, %arg15: memref<!tpu.dma_semaphore, #tpu.memory_space<semaphore_mem>>, %arg16: memref<!tpu.dma_semaphore, #tpu.memory_space<semaphore_mem>>, %arg17: memref<!tpu.dma_semaphore, #tpu.memory_space<semaphore_mem>>, %arg18: memref<!tpu.dma_semaphore, #tpu.memory_space<semaphore_mem>>, %arg19: memref<!tpu.dma_semaphore, #tpu.memory_space<semaphore_mem>>, %arg20: memref<!tpu.dma_semaphore, #tpu.memory_space<semaphore_mem>>) attributes {dimension_semantics = [#tpu.dimension_semantics<core_parallel>, #tpu.dimension_semantics<subcore_parallel>], iteration_bounds = array<i64: 2, 16>, scalar_prefetch = 0 : i64, scratch_operands = 16 : i64, tpu.core_type = #tpu.core_type<sc_vector_subcore>, window_params = [{transform_indices = #map}, {transform_indices = #map1}, {transform_indices = #map1}]} {
    %mul3A = arith.constant 2 : i32
    %mul3A_0 = arith.muli %arg1, %mul3A : i32
    %add3A = arith.addi %mul3A_0, %arg0 : i32
    "tpu.region"() ({
      %run_scoped3A = tpu.sem_alloc : memref<!tpu.dma_semaphore, #tpu.memory_space<semaphore_mem>>
      %dma_start3A_382 = arith.constant 0 : i32
      %dma_start3A_383 = arith.constant 0 : i32
      %dma_start3A_384 = tpu.memref_slice %arg2[%add3A, %dma_start3A_382, %dma_start3A_383] : memref<32x200x128xi32, #tpu.memory_space<hbm>> -> memref<1x200x128xi32, #tpu.memory_space<hbm>>
      %dma_start3A_385 = tpu.memref_squeeze %dma_start3A_384 : memref<1x200x128xi32, #tpu.memory_space<hbm>> -> memref<200x128xi32, #tpu.memory_space<hbm>>
      %dma_start3A_386 = arith.constant 0 : i32
      %dma_start3A_387 = arith.constant 0 : i32
      %dma_start3A_388 = tpu.memref_slice %arg2[%add3A, %dma_start3A_386, %dma_start3A_387] : memref<32x200x128xi32, #tpu.memory_space<hbm>> -> memref<1x200x128xi32, #tpu.memory_space<hbm>>
      %dma_start3A_389 = tpu.memref_squeeze %dma_start3A_388 : memref<1x200x128xi32, #tpu.memory_space<hbm>> -> memref<200x128xi32, #tpu.memory_space<hbm>>
      tpu.enqueue_dma source(%dma_start3A_389 : memref<200x128xi32, #tpu.memory_space<hbm>>) target(%arg5 : memref<200x128xi32, #tpu.memory_space<vmem>>) target_semaphore(%run_scoped3A : memref<!tpu.dma_semaphore, #tpu.memory_space<semaphore_mem>>)
      %dma_wait3A_390 = arith.constant 0 : i32
      %dma_wait3A_391 = arith.constant 0 : i32
      %dma_wait3A_392 = tpu.memref_slice %arg2[%add3A, %dma_wait3A_390, %dma_wait3A_391] : memref<32x200x128xi32, #tpu.memory_space<hbm>> -> memref<1x200x128xi32, #tpu.memory_space<hbm>>
      %dma_wait3A_393 = tpu.memref_squeeze %dma_wait3A_392 : memref<1x200x128xi32, #tpu.memory_space<hbm>> -> memref<200x128xi32, #tpu.memory_space<hbm>>
      %dma_wait3A_394 = arith.constant 0 : i32
      %dma_wait3A_395 = arith.constant 0 : i32
      %dma_wait3A_396 = tpu.memref_slice %arg2[%add3A, %dma_wait3A_394, %dma_wait3A_395] : memref<32x200x128xi32, #tpu.memory_space<hbm>> -> memref<1x200x128xi32, #tpu.memory_space<hbm>>
      %dma_wait3A_397 = tpu.memref_squeeze %dma_wait3A_396 : memref<1x200x128xi32, #tpu.memory_space<hbm>> -> memref<200x128xi32, #tpu.memory_space<hbm>>
      tpu.wait_dma2 semaphore(%run_scoped3A : memref<!tpu.dma_semaphore, #tpu.memory_space<semaphore_mem>>) src(%dma_wait3A_397 : memref<200x128xi32, #tpu.memory_space<hbm>>) dst(%arg5 : memref<200x128xi32, #tpu.memory_space<vmem>>)
      tpu.yield
    }) : () -> ()
    %mul3A_1 = arith.constant 25600 : i32
    %mul3A_2 = arith.muli %add3A, %mul3A_1 : i32
    %dma_start3A = arith.constant 0 : i32
    %dma_start3A_3 = arith.constant 0 : i32
    %dma_start3A_4 = tpu.memref_slice %arg5[%dma_start3A, %dma_start3A_3] : memref<200x128xi32, #tpu.memory_space<vmem>> -> memref<1x128xi32, #tpu.memory_space<vmem>>
    %dma_start3A_5 = tpu.memref_squeeze %dma_start3A_4 : memref<1x128xi32, #tpu.memory_space<vmem>> -> memref<128xi32, #tpu.memory_space<vmem>>
    %dma_start3A_6 = arith.constant 0 : i32
    %dma_start3A_7 = arith.constant 0 : i32
    %dma_start3A_8 = tpu.memref_slice %arg3[%dma_start3A_6, %dma_start3A_7] : memref<1000000x128xf32, #tpu.memory_space<hbm>> -> memref<1000000x128xf32, #tpu.memory_space<hbm>>
    tpu.enqueue_indirect_dma source(%dma_start3A_8 : memref<1000000x128xf32, #tpu.memory_space<hbm>>) target(%arg7 : memref<128x128xf32, #tpu.memory_space<vmem>>) offsets(%dma_start3A_5 : memref<128xi32, #tpu.memory_space<vmem>>) semaphore(%arg17 : memref<!tpu.dma_semaphore, #tpu.memory_space<semaphore_mem>>)
    %dma_start3A_9 = arith.constant 1 : i32
    %dma_start3A_10 = arith.constant 0 : i32
    %dma_start3A_11 = tpu.memref_slice %arg5[%dma_start3A_9, %dma_start3A_10] : memref<200x128xi32, #tpu.memory_space<vmem>> -> memref<1x128xi32, #tpu.memory_space<vmem>>
    %dma_start3A_12 = tpu.memref_squeeze %dma_start3A_11 : memref<1x128xi32, #tpu.memory_space<vmem>> -> memref<128xi32, #tpu.memory_space<vmem>>
    %dma_start3A_13 = arith.constant 0 : i32
    %dma_start3A_14 = arith.constant 0 : i32
    %dma_start3A_15 = tpu.memref_slice %arg3[%dma_start3A_13, %dma_start3A_14] : memref<1000000x128xf32, #tpu.memory_space<hbm>> -> memref<1000000x128xf32, #tpu.memory_space<hbm>>
    tpu.enqueue_indirect_dma source(%dma_start3A_15 : memref<1000000x128xf32, #tpu.memory_space<hbm>>) target(%arg8 : memref<128x128xf32, #tpu.memory_space<vmem>>) offsets(%dma_start3A_12 : memref<128xi32, #tpu.memory_space<vmem>>) semaphore(%arg18 : memref<!tpu.dma_semaphore, #tpu.memory_space<semaphore_mem>>)
    %dma_start3A_16 = arith.constant 2 : i32
    %dma_start3A_17 = arith.constant 0 : i32
    %dma_start3A_18 = tpu.memref_slice %arg5[%dma_start3A_16, %dma_start3A_17] : memref<200x128xi32, #tpu.memory_space<vmem>> -> memref<1x128xi32, #tpu.memory_space<vmem>>
    %dma_start3A_19 = tpu.memref_squeeze %dma_start3A_18 : memref<1x128xi32, #tpu.memory_space<vmem>> -> memref<128xi32, #tpu.memory_space<vmem>>
    %dma_start3A_20 = arith.constant 0 : i32
    %dma_start3A_21 = arith.constant 0 : i32
    %dma_start3A_22 = tpu.memref_slice %arg3[%dma_start3A_20, %dma_start3A_21] : memref<1000000x128xf32, #tpu.memory_space<hbm>> -> memref<1000000x128xf32, #tpu.memory_space<hbm>>
    tpu.enqueue_indirect_dma source(%dma_start3A_22 : memref<1000000x128xf32, #tpu.memory_space<hbm>>) target(%arg9 : memref<128x128xf32, #tpu.memory_space<vmem>>) offsets(%dma_start3A_19 : memref<128xi32, #tpu.memory_space<vmem>>) semaphore(%arg19 : memref<!tpu.dma_semaphore, #tpu.memory_space<semaphore_mem>>)
    %dma_wait3A = arith.constant 0 : i32
    %dma_wait3A_23 = arith.constant 0 : i32
    %dma_wait3A_24 = tpu.memref_slice %arg3[%dma_wait3A, %dma_wait3A_23] : memref<1000000x128xf32, #tpu.memory_space<hbm>> -> memref<128x128xf32, #tpu.memory_space<hbm>>
    %dma_wait3A_25 = arith.constant 0 : i32
    %dma_wait3A_26 = arith.constant 0 : i32
    %dma_wait3A_27 = tpu.memref_slice %arg3[%dma_wait3A_25, %dma_wait3A_26] : memref<1000000x128xf32, #tpu.memory_space<hbm>> -> memref<128x128xf32, #tpu.memory_space<hbm>>
    tpu.wait_dma2 semaphore(%arg17 : memref<!tpu.dma_semaphore, #tpu.memory_space<semaphore_mem>>) src(%dma_wait3A_27 : memref<128x128xf32, #tpu.memory_space<hbm>>) dst(%arg7 : memref<128x128xf32, #tpu.memory_space<vmem>>)
    %dma_start3A_28 = arith.constant 0 : i32
    %dma_start3A_29 = arith.constant 0 : i32
    %dma_start3A_30 = arith.constant 0 : i32
    %dma_start3A_31 = tpu.memref_slice %arg6[%arg1, %dma_start3A_28, %dma_start3A_29, %dma_start3A_30] : memref<16x2x128x128xf32, #tpu.memory_space<vmem_shared>> -> memref<1x1x128x128xf32, #tpu.memory_space<vmem_shared>>
    %dma_start3A_32 = tpu.memref_squeeze %dma_start3A_31 : memref<1x1x128x128xf32, #tpu.memory_space<vmem_shared>> -> memref<128x128xf32, #tpu.memory_space<vmem_shared>>
    %dma_start3A_33 = arith.constant 0 : i32
    %dma_start3A_34 = arith.constant 0 : i32
    %dma_start3A_35 = tpu.memref_slice %arg6[%arg1, %dma_start3A_28, %dma_start3A_33, %dma_start3A_34] : memref<16x2x128x128xf32, #tpu.memory_space<vmem_shared>> -> memref<1x1x128x128xf32, #tpu.memory_space<vmem_shared>>
    %dma_start3A_36 = tpu.memref_squeeze %dma_start3A_35 : memref<1x1x128x128xf32, #tpu.memory_space<vmem_shared>> -> memref<128x128xf32, #tpu.memory_space<vmem_shared>>
    tpu.enqueue_dma source(%arg7 : memref<128x128xf32, #tpu.memory_space<vmem>>) target(%dma_start3A_36 : memref<128x128xf32, #tpu.memory_space<vmem_shared>>) target_semaphore(%arg11 : memref<!tpu.dma_semaphore, #tpu.memory_space<semaphore_mem>>)
    %dma_start3A_37 = arith.constant 3 : i32
    %dma_start3A_38 = arith.constant 0 : i32
    %dma_start3A_39 = tpu.memref_slice %arg5[%dma_start3A_37, %dma_start3A_38] : memref<200x128xi32, #tpu.memory_space<vmem>> -> memref<1x128xi32, #tpu.memory_space<vmem>>
    %dma_start3A_40 = tpu.memref_squeeze %dma_start3A_39 : memref<1x128xi32, #tpu.memory_space<vmem>> -> memref<128xi32, #tpu.memory_space<vmem>>
    %dma_start3A_41 = arith.constant 0 : i32
    %dma_start3A_42 = arith.constant 0 : i32
    %dma_start3A_43 = tpu.memref_slice %arg3[%dma_start3A_41, %dma_start3A_42] : memref<1000000x128xf32, #tpu.memory_space<hbm>> -> memref<1000000x128xf32, #tpu.memory_space<hbm>>
    tpu.enqueue_indirect_dma source(%dma_start3A_43 : memref<1000000x128xf32, #tpu.memory_space<hbm>>) target(%arg10 : memref<128x128xf32, #tpu.memory_space<vmem>>) offsets(%dma_start3A_40 : memref<128xi32, #tpu.memory_space<vmem>>) semaphore(%arg20 : memref<!tpu.dma_semaphore, #tpu.memory_space<semaphore_mem>>)
    %dma_wait3A_44 = arith.constant 0 : i32
    %dma_wait3A_45 = arith.constant 0 : i32
    %dma_wait3A_46 = tpu.memref_slice %arg3[%dma_wait3A_44, %dma_wait3A_45] : memref<1000000x128xf32, #tpu.memory_space<hbm>> -> memref<128x128xf32, #tpu.memory_space<hbm>>
    %dma_wait3A_47 = arith.constant 0 : i32
    %dma_wait3A_48 = arith.constant 0 : i32
    %dma_wait3A_49 = tpu.memref_slice %arg3[%dma_wait3A_47, %dma_wait3A_48] : memref<1000000x128xf32, #tpu.memory_space<hbm>> -> memref<128x128xf32, #tpu.memory_space<hbm>>
    tpu.wait_dma2 semaphore(%arg18 : memref<!tpu.dma_semaphore, #tpu.memory_space<semaphore_mem>>) src(%dma_wait3A_49 : memref<128x128xf32, #tpu.memory_space<hbm>>) dst(%arg8 : memref<128x128xf32, #tpu.memory_space<vmem>>)
    %dma_wait3A_50 = arith.constant 0 : i32
    %dma_wait3A_51 = arith.constant 0 : i32
    %dma_wait3A_52 = arith.constant 0 : i32
    %dma_wait3A_53 = tpu.memref_slice %arg6[%arg1, %dma_wait3A_50, %dma_wait3A_51, %dma_wait3A_52] : memref<16x2x128x128xf32, #tpu.memory_space<vmem_shared>> -> memref<1x1x128x128xf32, #tpu.memory_space<vmem_shared>>
    %dma_wait3A_54 = tpu.memref_squeeze %dma_wait3A_53 : memref<1x1x128x128xf32, #tpu.memory_space<vmem_shared>> -> memref<128x128xf32, #tpu.memory_space<vmem_shared>>
    %dma_wait3A_55 = arith.constant 0 : i32
    %dma_wait3A_56 = arith.constant 0 : i32
    %dma_wait3A_57 = tpu.memref_slice %arg6[%arg1, %dma_wait3A_50, %dma_wait3A_55, %dma_wait3A_56] : memref<16x2x128x128xf32, #tpu.memory_space<vmem_shared>> -> memref<1x1x128x128xf32, #tpu.memory_space<vmem_shared>>
    %dma_wait3A_58 = tpu.memref_squeeze %dma_wait3A_57 : memref<1x1x128x128xf32, #tpu.memory_space<vmem_shared>> -> memref<128x128xf32, #tpu.memory_space<vmem_shared>>
    tpu.wait_dma2 semaphore(%arg11 : memref<!tpu.dma_semaphore, #tpu.memory_space<semaphore_mem>>) src(%arg7 : memref<128x128xf32, #tpu.memory_space<vmem>>) dst(%dma_wait3A_58 : memref<128x128xf32, #tpu.memory_space<vmem_shared>>)
    %add3A_59 = arith.constant 0 : i32
    %add3A_60 = arith.addi %mul3A_2, %add3A_59 : i32
    %dma_start3A_61 = arith.constant 0 : i32
    %dma_start3A_62 = arith.constant 0 : i32
    %dma_start3A_63 = tpu.memref_slice %arg4[%add3A_60, %dma_start3A_62] : memref<819200x128xf32, #tpu.memory_space<hbm>> -> memref<128x128xf32, #tpu.memory_space<hbm>>
    %dma_start3A_64 = arith.constant 0 : i32
    %dma_start3A_65 = arith.constant 0 : i32
    %dma_start3A_66 = tpu.memref_slice %arg6[%arg1, %dma_start3A_61, %dma_start3A_64, %dma_start3A_65] : memref<16x2x128x128xf32, #tpu.memory_space<vmem_shared>> -> memref<1x1x128x128xf32, #tpu.memory_space<vmem_shared>>
    %dma_start3A_67 = tpu.memref_squeeze %dma_start3A_66 : memref<1x1x128x128xf32, #tpu.memory_space<vmem_shared>> -> memref<128x128xf32, #tpu.memory_space<vmem_shared>>
    tpu.enqueue_dma source(%dma_start3A_67 : memref<128x128xf32, #tpu.memory_space<vmem_shared>>) target(%dma_start3A_63 : memref<128x128xf32, #tpu.memory_space<hbm>>) target_semaphore(%arg15 : memref<!tpu.dma_semaphore, #tpu.memory_space<semaphore_mem>>)
    %dma_start3A_68 = arith.constant 1 : i32
    %dma_start3A_69 = arith.constant 0 : i32
    %dma_start3A_70 = arith.constant 0 : i32
    %dma_start3A_71 = tpu.memref_slice %arg6[%arg1, %dma_start3A_68, %dma_start3A_69, %dma_start3A_70] : memref<16x2x128x128xf32, #tpu.memory_space<vmem_shared>> -> memref<1x1x128x128xf32, #tpu.memory_space<vmem_shared>>
    %dma_start3A_72 = tpu.memref_squeeze %dma_start3A_71 : memref<1x1x128x128xf32, #tpu.memory_space<vmem_shared>> -> memref<128x128xf32, #tpu.memory_space<vmem_shared>>
    %dma_start3A_73 = arith.constant 0 : i32
    %dma_start3A_74 = arith.constant 0 : i32
    %dma_start3A_75 = tpu.memref_slice %arg6[%arg1, %dma_start3A_68, %dma_start3A_73, %dma_start3A_74] : memref<16x2x128x128xf32, #tpu.memory_space<vmem_shared>> -> memref<1x1x128x128xf32, #tpu.memory_space<vmem_shared>>
    %dma_start3A_76 = tpu.memref_squeeze %dma_start3A_75 : memref<1x1x128x128xf32, #tpu.memory_space<vmem_shared>> -> memref<128x128xf32, #tpu.memory_space<vmem_shared>>
    tpu.enqueue_dma source(%arg8 : memref<128x128xf32, #tpu.memory_space<vmem>>) target(%dma_start3A_76 : memref<128x128xf32, #tpu.memory_space<vmem_shared>>) target_semaphore(%arg12 : memref<!tpu.dma_semaphore, #tpu.memory_space<semaphore_mem>>)
    %dma_start3A_77 = arith.constant 4 : i32
    %dma_start3A_78 = arith.constant 0 : i32
    %dma_start3A_79 = tpu.memref_slice %arg5[%dma_start3A_77, %dma_start3A_78] : memref<200x128xi32, #tpu.memory_space<vmem>> -> memref<1x128xi32, #tpu.memory_space<vmem>>
    %dma_start3A_80 = tpu.memref_squeeze %dma_start3A_79 : memref<1x128xi32, #tpu.memory_space<vmem>> -> memref<128xi32, #tpu.memory_space<vmem>>
    %dma_start3A_81 = arith.constant 0 : i32
    %dma_start3A_82 = arith.constant 0 : i32
    %dma_start3A_83 = tpu.memref_slice %arg3[%dma_start3A_81, %dma_start3A_82] : memref<1000000x128xf32, #tpu.memory_space<hbm>> -> memref<1000000x128xf32, #tpu.memory_space<hbm>>
    tpu.enqueue_indirect_dma source(%dma_start3A_83 : memref<1000000x128xf32, #tpu.memory_space<hbm>>) target(%arg7 : memref<128x128xf32, #tpu.memory_space<vmem>>) offsets(%dma_start3A_80 : memref<128xi32, #tpu.memory_space<vmem>>) semaphore(%arg17 : memref<!tpu.dma_semaphore, #tpu.memory_space<semaphore_mem>>)
    %dma_wait3A_84 = arith.constant 0 : i32
    %dma_wait3A_85 = arith.constant 0 : i32
    %dma_wait3A_86 = tpu.memref_slice %arg3[%dma_wait3A_84, %dma_wait3A_85] : memref<1000000x128xf32, #tpu.memory_space<hbm>> -> memref<128x128xf32, #tpu.memory_space<hbm>>
    %dma_wait3A_87 = arith.constant 0 : i32
    %dma_wait3A_88 = arith.constant 0 : i32
    %dma_wait3A_89 = tpu.memref_slice %arg3[%dma_wait3A_87, %dma_wait3A_88] : memref<1000000x128xf32, #tpu.memory_space<hbm>> -> memref<128x128xf32, #tpu.memory_space<hbm>>
    tpu.wait_dma2 semaphore(%arg19 : memref<!tpu.dma_semaphore, #tpu.memory_space<semaphore_mem>>) src(%dma_wait3A_89 : memref<128x128xf32, #tpu.memory_space<hbm>>) dst(%arg9 : memref<128x128xf32, #tpu.memory_space<vmem>>)
    %dma_wait3A_90 = arith.constant 0 : i32
    %dma_wait3A_91 = arith.constant 0 : i32
    %dma_wait3A_92 = arith.constant 0 : i32
    %dma_wait3A_93 = tpu.memref_slice %arg6[%arg1, %dma_wait3A_90, %dma_wait3A_91, %dma_wait3A_92] : memref<16x2x128x128xf32, #tpu.memory_space<vmem_shared>> -> memref<1x1x128x128xf32, #tpu.memory_space<vmem_shared>>
    %dma_wait3A_94 = tpu.memref_squeeze %dma_wait3A_93 : memref<1x1x128x128xf32, #tpu.memory_space<vmem_shared>> -> memref<128x128xf32, #tpu.memory_space<vmem_shared>>
    %dma_wait3A_95 = arith.constant 0 : i32
    %dma_wait3A_96 = arith.constant 0 : i32
    %dma_wait3A_97 = tpu.memref_slice %arg6[%arg1, %dma_wait3A_90, %dma_wait3A_95, %dma_wait3A_96] : memref<16x2x128x128xf32, #tpu.memory_space<vmem_shared>> -> memref<1x1x128x128xf32, #tpu.memory_space<vmem_shared>>
    %dma_wait3A_98 = tpu.memref_squeeze %dma_wait3A_97 : memref<1x1x128x128xf32, #tpu.memory_space<vmem_shared>> -> memref<128x128xf32, #tpu.memory_space<vmem_shared>>
    tpu.wait_dma2 semaphore(%arg12 : memref<!tpu.dma_semaphore, #tpu.memory_space<semaphore_mem>>) src(%arg8 : memref<128x128xf32, #tpu.memory_space<vmem>>) dst(%dma_wait3A_98 : memref<128x128xf32, #tpu.memory_space<vmem_shared>>)
    %add3A_99 = arith.constant 128 : i32
    %add3A_100 = arith.addi %mul3A_2, %add3A_99 : i32
    %dma_start3A_101 = arith.constant 1 : i32
    %dma_start3A_102 = arith.constant 0 : i32
    %dma_start3A_103 = tpu.memref_slice %arg4[%add3A_100, %dma_start3A_102] : memref<819200x128xf32, #tpu.memory_space<hbm>> -> memref<128x128xf32, #tpu.memory_space<hbm>>
    %dma_start3A_104 = arith.constant 0 : i32
    %dma_start3A_105 = arith.constant 0 : i32
    %dma_start3A_106 = tpu.memref_slice %arg6[%arg1, %dma_start3A_101, %dma_start3A_104, %dma_start3A_105] : memref<16x2x128x128xf32, #tpu.memory_space<vmem_shared>> -> memref<1x1x128x128xf32, #tpu.memory_space<vmem_shared>>
    %dma_start3A_107 = tpu.memref_squeeze %dma_start3A_106 : memref<1x1x128x128xf32, #tpu.memory_space<vmem_shared>> -> memref<128x128xf32, #tpu.memory_space<vmem_shared>>
    tpu.enqueue_dma source(%dma_start3A_107 : memref<128x128xf32, #tpu.memory_space<vmem_shared>>) target(%dma_start3A_103 : memref<128x128xf32, #tpu.memory_space<hbm>>) target_semaphore(%arg16 : memref<!tpu.dma_semaphore, #tpu.memory_space<semaphore_mem>>)
    %dma_wait3A_108 = arith.constant 0 : i32
    %dma_wait3A_109 = arith.constant 0 : i32
    %dma_wait3A_110 = tpu.memref_slice %arg4[%mul3A_2, %dma_wait3A_109] : memref<819200x128xf32, #tpu.memory_space<hbm>> -> memref<128x128xf32, #tpu.memory_space<hbm>>
    %dma_wait3A_111 = arith.constant 0 : i32
    %dma_wait3A_112 = arith.constant 0 : i32
    %dma_wait3A_113 = tpu.memref_slice %arg6[%arg1, %dma_wait3A_108, %dma_wait3A_111, %dma_wait3A_112] : memref<16x2x128x128xf32, #tpu.memory_space<vmem_shared>> -> memref<1x1x128x128xf32, #tpu.memory_space<vmem_shared>>
    %dma_wait3A_114 = tpu.memref_squeeze %dma_wait3A_113 : memref<1x1x128x128xf32, #tpu.memory_space<vmem_shared>> -> memref<128x128xf32, #tpu.memory_space<vmem_shared>>
    tpu.wait_dma2 semaphore(%arg15 : memref<!tpu.dma_semaphore, #tpu.memory_space<semaphore_mem>>) src(%dma_wait3A_114 : memref<128x128xf32, #tpu.memory_space<vmem_shared>>) dst(%dma_wait3A_110 : memref<128x128xf32, #tpu.memory_space<hbm>>)
    %dma_start3A_115 = arith.constant 0 : i32
    %dma_start3A_116 = arith.constant 0 : i32
    %dma_start3A_117 = arith.constant 0 : i32
    %dma_start3A_118 = tpu.memref_slice %arg6[%arg1, %dma_start3A_115, %dma_start3A_116, %dma_start3A_117] : memref<16x2x128x128xf32, #tpu.memory_space<vmem_shared>> -> memref<1x1x128x128xf32, #tpu.memory_space<vmem_shared>>
    %dma_start3A_119 = tpu.memref_squeeze %dma_start3A_118 : memref<1x1x128x128xf32, #tpu.memory_space<vmem_shared>> -> memref<128x128xf32, #tpu.memory_space<vmem_shared>>
    %dma_start3A_120 = arith.constant 0 : i32
    %dma_start3A_121 = arith.constant 0 : i32
    %dma_start3A_122 = tpu.memref_slice %arg6[%arg1, %dma_start3A_115, %dma_start3A_120, %dma_start3A_121] : memref<16x2x128x128xf32, #tpu.memory_space<vmem_shared>> -> memref<1x1x128x128xf32, #tpu.memory_space<vmem_shared>>
    %dma_start3A_123 = tpu.memref_squeeze %dma_start3A_122 : memref<1x1x128x128xf32, #tpu.memory_space<vmem_shared>> -> memref<128x128xf32, #tpu.memory_space<vmem_shared>>
    tpu.enqueue_dma source(%arg9 : memref<128x128xf32, #tpu.memory_space<vmem>>) target(%dma_start3A_123 : memref<128x128xf32, #tpu.memory_space<vmem_shared>>) target_semaphore(%arg13 : memref<!tpu.dma_semaphore, #tpu.memory_space<semaphore_mem>>)
    %dma_start3A_124 = arith.constant 5 : i32
    %dma_start3A_125 = arith.constant 0 : i32
    %dma_start3A_126 = tpu.memref_slice %arg5[%dma_start3A_124, %dma_start3A_125] : memref<200x128xi32, #tpu.memory_space<vmem>> -> memref<1x128xi32, #tpu.memory_space<vmem>>
    %dma_start3A_127 = tpu.memref_squeeze %dma_start3A_126 : memref<1x128xi32, #tpu.memory_space<vmem>> -> memref<128xi32, #tpu.memory_space<vmem>>
    %dma_start3A_128 = arith.constant 0 : i32
    %dma_start3A_129 = arith.constant 0 : i32
    %dma_start3A_130 = tpu.memref_slice %arg3[%dma_start3A_128, %dma_start3A_129] : memref<1000000x128xf32, #tpu.memory_space<hbm>> -> memref<1000000x128xf32, #tpu.memory_space<hbm>>
    tpu.enqueue_indirect_dma source(%dma_start3A_130 : memref<1000000x128xf32, #tpu.memory_space<hbm>>) target(%arg8 : memref<128x128xf32, #tpu.memory_space<vmem>>) offsets(%dma_start3A_127 : memref<128xi32, #tpu.memory_space<vmem>>) semaphore(%arg18 : memref<!tpu.dma_semaphore, #tpu.memory_space<semaphore_mem>>)
    %dma_wait3A_131 = arith.constant 0 : i32
    %dma_wait3A_132 = arith.constant 0 : i32
    %dma_wait3A_133 = tpu.memref_slice %arg3[%dma_wait3A_131, %dma_wait3A_132] : memref<1000000x128xf32, #tpu.memory_space<hbm>> -> memref<128x128xf32, #tpu.memory_space<hbm>>
    %dma_wait3A_134 = arith.constant 0 : i32
    %dma_wait3A_135 = arith.constant 0 : i32
    %dma_wait3A_136 = tpu.memref_slice %arg3[%dma_wait3A_134, %dma_wait3A_135] : memref<1000000x128xf32, #tpu.memory_space<hbm>> -> memref<128x128xf32, #tpu.memory_space<hbm>>
    tpu.wait_dma2 semaphore(%arg20 : memref<!tpu.dma_semaphore, #tpu.memory_space<semaphore_mem>>) src(%dma_wait3A_136 : memref<128x128xf32, #tpu.memory_space<hbm>>) dst(%arg10 : memref<128x128xf32, #tpu.memory_space<vmem>>)
    %dma_wait3A_137 = arith.constant 0 : i32
    %dma_wait3A_138 = arith.constant 0 : i32
    %dma_wait3A_139 = arith.constant 0 : i32
    %dma_wait3A_140 = tpu.memref_slice %arg6[%arg1, %dma_wait3A_137, %dma_wait3A_138, %dma_wait3A_139] : memref<16x2x128x128xf32, #tpu.memory_space<vmem_shared>> -> memref<1x1x128x128xf32, #tpu.memory_space<vmem_shared>>
    %dma_wait3A_141 = tpu.memref_squeeze %dma_wait3A_140 : memref<1x1x128x128xf32, #tpu.memory_space<vmem_shared>> -> memref<128x128xf32, #tpu.memory_space<vmem_shared>>
    %dma_wait3A_142 = arith.constant 0 : i32
    %dma_wait3A_143 = arith.constant 0 : i32
    %dma_wait3A_144 = tpu.memref_slice %arg6[%arg1, %dma_wait3A_137, %dma_wait3A_142, %dma_wait3A_143] : memref<16x2x128x128xf32, #tpu.memory_space<vmem_shared>> -> memref<1x1x128x128xf32, #tpu.memory_space<vmem_shared>>
    %dma_wait3A_145 = tpu.memref_squeeze %dma_wait3A_144 : memref<1x1x128x128xf32, #tpu.memory_space<vmem_shared>> -> memref<128x128xf32, #tpu.memory_space<vmem_shared>>
    tpu.wait_dma2 semaphore(%arg13 : memref<!tpu.dma_semaphore, #tpu.memory_space<semaphore_mem>>) src(%arg9 : memref<128x128xf32, #tpu.memory_space<vmem>>) dst(%dma_wait3A_145 : memref<128x128xf32, #tpu.memory_space<vmem_shared>>)
    %add3A_146 = arith.constant 256 : i32
    %add3A_147 = arith.addi %mul3A_2, %add3A_146 : i32
    %dma_start3A_148 = arith.constant 0 : i32
    %dma_start3A_149 = arith.constant 0 : i32
    %dma_start3A_150 = tpu.memref_slice %arg4[%add3A_147, %dma_start3A_149] : memref<819200x128xf32, #tpu.memory_space<hbm>> -> memref<128x128xf32, #tpu.memory_space<hbm>>
    %dma_start3A_151 = arith.constant 0 : i32
    %dma_start3A_152 = arith.constant 0 : i32
    %dma_start3A_153 = tpu.memref_slice %arg6[%arg1, %dma_start3A_148, %dma_start3A_151, %dma_start3A_152] : memref<16x2x128x128xf32, #tpu.memory_space<vmem_shared>> -> memref<1x1x128x128xf32, #tpu.memory_space<vmem_shared>>
    %dma_start3A_154 = tpu.memref_squeeze %dma_start3A_153 : memref<1x1x128x128xf32, #tpu.memory_space<vmem_shared>> -> memref<128x128xf32, #tpu.memory_space<vmem_shared>>
    tpu.enqueue_dma source(%dma_start3A_154 : memref<128x128xf32, #tpu.memory_space<vmem_shared>>) target(%dma_start3A_150 : memref<128x128xf32, #tpu.memory_space<hbm>>) target_semaphore(%arg15 : memref<!tpu.dma_semaphore, #tpu.memory_space<semaphore_mem>>)
    %dma_wait3A_155 = arith.constant 1 : i32
    %dma_wait3A_156 = arith.constant 0 : i32
    %dma_wait3A_157 = tpu.memref_slice %arg4[%mul3A_2, %dma_wait3A_156] : memref<819200x128xf32, #tpu.memory_space<hbm>> -> memref<128x128xf32, #tpu.memory_space<hbm>>
    %dma_wait3A_158 = arith.constant 0 : i32
    %dma_wait3A_159 = arith.constant 0 : i32
    %dma_wait3A_160 = tpu.memref_slice %arg6[%arg1, %dma_wait3A_155, %dma_wait3A_158, %dma_wait3A_159] : memref<16x2x128x128xf32, #tpu.memory_space<vmem_shared>> -> memref<1x1x128x128xf32, #tpu.memory_space<vmem_shared>>
    %dma_wait3A_161 = tpu.memref_squeeze %dma_wait3A_160 : memref<1x1x128x128xf32, #tpu.memory_space<vmem_shared>> -> memref<128x128xf32, #tpu.memory_space<vmem_shared>>
    tpu.wait_dma2 semaphore(%arg16 : memref<!tpu.dma_semaphore, #tpu.memory_space<semaphore_mem>>) src(%dma_wait3A_161 : memref<128x128xf32, #tpu.memory_space<vmem_shared>>) dst(%dma_wait3A_157 : memref<128x128xf32, #tpu.memory_space<hbm>>)
    %dma_start3A_162 = arith.constant 1 : i32
    %dma_start3A_163 = arith.constant 0 : i32
    %dma_start3A_164 = arith.constant 0 : i32
    %dma_start3A_165 = tpu.memref_slice %arg6[%arg1, %dma_start3A_162, %dma_start3A_163, %dma_start3A_164] : memref<16x2x128x128xf32, #tpu.memory_space<vmem_shared>> -> memref<1x1x128x128xf32, #tpu.memory_space<vmem_shared>>
    %dma_start3A_166 = tpu.memref_squeeze %dma_start3A_165 : memref<1x1x128x128xf32, #tpu.memory_space<vmem_shared>> -> memref<128x128xf32, #tpu.memory_space<vmem_shared>>
    %dma_start3A_167 = arith.constant 0 : i32
    %dma_start3A_168 = arith.constant 0 : i32
    %dma_start3A_169 = tpu.memref_slice %arg6[%arg1, %dma_start3A_162, %dma_start3A_167, %dma_start3A_168] : memref<16x2x128x128xf32, #tpu.memory_space<vmem_shared>> -> memref<1x1x128x128xf32, #tpu.memory_space<vmem_shared>>
    %dma_start3A_170 = tpu.memref_squeeze %dma_start3A_169 : memref<1x1x128x128xf32, #tpu.memory_space<vmem_shared>> -> memref<128x128xf32, #tpu.memory_space<vmem_shared>>
    tpu.enqueue_dma source(%arg10 : memref<128x128xf32, #tpu.memory_space<vmem>>) target(%dma_start3A_170 : memref<128x128xf32, #tpu.memory_space<vmem_shared>>) target_semaphore(%arg14 : memref<!tpu.dma_semaphore, #tpu.memory_space<semaphore_mem>>)
    %dma_start3A_171 = arith.constant 6 : i32
    %dma_start3A_172 = arith.constant 0 : i32
    %dma_start3A_173 = tpu.memref_slice %arg5[%dma_start3A_171, %dma_start3A_172] : memref<200x128xi32, #tpu.memory_space<vmem>> -> memref<1x128xi32, #tpu.memory_space<vmem>>
    %dma_start3A_174 = tpu.memref_squeeze %dma_start3A_173 : memref<1x128xi32, #tpu.memory_space<vmem>> -> memref<128xi32, #tpu.memory_space<vmem>>
    %dma_start3A_175 = arith.constant 0 : i32
    %dma_start3A_176 = arith.constant 0 : i32
    %dma_start3A_177 = tpu.memref_slice %arg3[%dma_start3A_175, %dma_start3A_176] : memref<1000000x128xf32, #tpu.memory_space<hbm>> -> memref<1000000x128xf32, #tpu.memory_space<hbm>>
    tpu.enqueue_indirect_dma source(%dma_start3A_177 : memref<1000000x128xf32, #tpu.memory_space<hbm>>) target(%arg9 : memref<128x128xf32, #tpu.memory_space<vmem>>) offsets(%dma_start3A_174 : memref<128xi32, #tpu.memory_space<vmem>>) semaphore(%arg19 : memref<!tpu.dma_semaphore, #tpu.memory_space<semaphore_mem>>)
    %scan3A = arith.constant 0 : i32
    %scan3A_178 = arith.constant 1 : i32
    %scan3A_179 = arith.constant 48 : i32
    %scan3A_180 = arith.addi %scan3A_178, %scan3A_179 : i32
    %scan3A_181 = arith.constant 1 : i32
    scf.for %scan3A_382 = %scan3A_178 to %scan3A_180 step %scan3A_181  : i32 {
      %mul3A_383 = arith.constant 4 : i32
      %mul3A_384 = arith.muli %scan3A_382, %mul3A_383 : i32
      %add3A_385 = arith.constant 0 : i32
      %add3A_386 = arith.addi %mul3A_384, %add3A_385 : i32
      %dma_wait3A_387 = arith.constant 0 : i32
      %dma_wait3A_388 = arith.constant 0 : i32
      %dma_wait3A_389 = tpu.memref_slice %arg3[%dma_wait3A_387, %dma_wait3A_388] : memref<1000000x128xf32, #tpu.memory_space<hbm>> -> memref<128x128xf32, #tpu.memory_space<hbm>>
      %dma_wait3A_390 = arith.constant 0 : i32
      %dma_wait3A_391 = arith.constant 0 : i32
      %dma_wait3A_392 = tpu.memref_slice %arg3[%dma_wait3A_390, %dma_wait3A_391] : memref<1000000x128xf32, #tpu.memory_space<hbm>> -> memref<128x128xf32, #tpu.memory_space<hbm>>
      tpu.wait_dma2 semaphore(%arg17 : memref<!tpu.dma_semaphore, #tpu.memory_space<semaphore_mem>>) src(%dma_wait3A_392 : memref<128x128xf32, #tpu.memory_space<hbm>>) dst(%arg7 : memref<128x128xf32, #tpu.memory_space<vmem>>)
      %dma_wait3A_393 = arith.constant 0 : i32
      %dma_wait3A_394 = arith.constant 0 : i32
      %dma_wait3A_395 = arith.constant 0 : i32
      %dma_wait3A_396 = tpu.memref_slice %arg6[%arg1, %dma_wait3A_393, %dma_wait3A_394, %dma_wait3A_395] : memref<16x2x128x128xf32, #tpu.memory_space<vmem_shared>> -> memref<1x1x128x128xf32, #tpu.memory_space<vmem_shared>>
      %dma_wait3A_397 = tpu.memref_squeeze %dma_wait3A_396 : memref<1x1x128x128xf32, #tpu.memory_space<vmem_shared>> -> memref<128x128xf32, #tpu.memory_space<vmem_shared>>
      %dma_wait3A_398 = arith.constant 0 : i32
      %dma_wait3A_399 = arith.constant 0 : i32
      %dma_wait3A_400 = tpu.memref_slice %arg6[%arg1, %dma_wait3A_393, %dma_wait3A_398, %dma_wait3A_399] : memref<16x2x128x128xf32, #tpu.memory_space<vmem_shared>> -> memref<1x1x128x128xf32, #tpu.memory_space<vmem_shared>>
      %dma_wait3A_401 = tpu.memref_squeeze %dma_wait3A_400 : memref<1x1x128x128xf32, #tpu.memory_space<vmem_shared>> -> memref<128x128xf32, #tpu.memory_space<vmem_shared>>
      tpu.wait_dma2 semaphore(%arg14 : memref<!tpu.dma_semaphore, #tpu.memory_space<semaphore_mem>>) src(%arg10 : memref<128x128xf32, #tpu.memory_space<vmem>>) dst(%dma_wait3A_401 : memref<128x128xf32, #tpu.memory_space<vmem_shared>>)
      %sub3A = arith.constant 1 : i32
      %sub3A_402 = arith.subi %add3A_386, %sub3A : i32
      %mul3A_403 = arith.constant 128 : i32
      %mul3A_404 = arith.muli %sub3A_402, %mul3A_403 : i32
      %add3A_405 = arith.addi %mul3A_2, %mul3A_404 : i32
      %dma_start3A_406 = arith.constant 1 : i32
      %dma_start3A_407 = arith.constant 0 : i32
      %dma_start3A_408 = tpu.memref_slice %arg4[%add3A_405, %dma_start3A_407] : memref<819200x128xf32, #tpu.memory_space<hbm>> -> memref<128x128xf32, #tpu.memory_space<hbm>>
      %dma_start3A_409 = arith.constant 0 : i32
      %dma_start3A_410 = arith.constant 0 : i32
      %dma_start3A_411 = tpu.memref_slice %arg6[%arg1, %dma_start3A_406, %dma_start3A_409, %dma_start3A_410] : memref<16x2x128x128xf32, #tpu.memory_space<vmem_shared>> -> memref<1x1x128x128xf32, #tpu.memory_space<vmem_shared>>
      %dma_start3A_412 = tpu.memref_squeeze %dma_start3A_411 : memref<1x1x128x128xf32, #tpu.memory_space<vmem_shared>> -> memref<128x128xf32, #tpu.memory_space<vmem_shared>>
      tpu.enqueue_dma source(%dma_start3A_412 : memref<128x128xf32, #tpu.memory_space<vmem_shared>>) target(%dma_start3A_408 : memref<128x128xf32, #tpu.memory_space<hbm>>) target_semaphore(%arg16 : memref<!tpu.dma_semaphore, #tpu.memory_space<semaphore_mem>>)
      %dma_wait3A_413 = arith.constant 0 : i32
      %dma_wait3A_414 = arith.constant 0 : i32
      %dma_wait3A_415 = tpu.memref_slice %arg4[%mul3A_2, %dma_wait3A_414] : memref<819200x128xf32, #tpu.memory_space<hbm>> -> memref<128x128xf32, #tpu.memory_space<hbm>>
      %dma_wait3A_416 = arith.constant 0 : i32
      %dma_wait3A_417 = arith.constant 0 : i32
      %dma_wait3A_418 = tpu.memref_slice %arg6[%arg1, %dma_wait3A_413, %dma_wait3A_416, %dma_wait3A_417] : memref<16x2x128x128xf32, #tpu.memory_space<vmem_shared>> -> memref<1x1x128x128xf32, #tpu.memory_space<vmem_shared>>
      %dma_wait3A_419 = tpu.memref_squeeze %dma_wait3A_418 : memref<1x1x128x128xf32, #tpu.memory_space<vmem_shared>> -> memref<128x128xf32, #tpu.memory_space<vmem_shared>>
      tpu.wait_dma2 semaphore(%arg15 : memref<!tpu.dma_semaphore, #tpu.memory_space<semaphore_mem>>) src(%dma_wait3A_419 : memref<128x128xf32, #tpu.memory_space<vmem_shared>>) dst(%dma_wait3A_415 : memref<128x128xf32, #tpu.memory_space<hbm>>)
      %dma_start3A_420 = arith.constant 0 : i32
      %dma_start3A_421 = arith.constant 0 : i32
      %dma_start3A_422 = arith.constant 0 : i32
      %dma_start3A_423 = tpu.memref_slice %arg6[%arg1, %dma_start3A_420, %dma_start3A_421, %dma_start3A_422] : memref<16x2x128x128xf32, #tpu.memory_space<vmem_shared>> -> memref<1x1x128x128xf32, #tpu.memory_space<vmem_shared>>
      %dma_start3A_424 = tpu.memref_squeeze %dma_start3A_423 : memref<1x1x128x128xf32, #tpu.memory_space<vmem_shared>> -> memref<128x128xf32, #tpu.memory_space<vmem_shared>>
      %dma_start3A_425 = arith.constant 0 : i32
      %dma_start3A_426 = arith.constant 0 : i32
      %dma_start3A_427 = tpu.memref_slice %arg6[%arg1, %dma_start3A_420, %dma_start3A_425, %dma_start3A_426] : memref<16x2x128x128xf32, #tpu.memory_space<vmem_shared>> -> memref<1x1x128x128xf32, #tpu.memory_space<vmem_shared>>
      %dma_start3A_428 = tpu.memref_squeeze %dma_start3A_427 : memref<1x1x128x128xf32, #tpu.memory_space<vmem_shared>> -> memref<128x128xf32, #tpu.memory_space<vmem_shared>>
      tpu.enqueue_dma source(%arg7 : memref<128x128xf32, #tpu.memory_space<vmem>>) target(%dma_start3A_428 : memref<128x128xf32, #tpu.memory_space<vmem_shared>>) target_semaphore(%arg11 : memref<!tpu.dma_semaphore, #tpu.memory_space<semaphore_mem>>)
      %add3A_429 = arith.constant 3 : i32
      %add3A_430 = arith.addi %add3A_386, %add3A_429 : i32
      %dma_start3A_431 = arith.constant 0 : i32
      %dma_start3A_432 = tpu.memref_slice %arg5[%add3A_430, %dma_start3A_431] : memref<200x128xi32, #tpu.memory_space<vmem>> -> memref<1x128xi32, #tpu.memory_space<vmem>>
      %dma_start3A_433 = tpu.memref_squeeze %dma_start3A_432 : memref<1x128xi32, #tpu.memory_space<vmem>> -> memref<128xi32, #tpu.memory_space<vmem>>
      %dma_start3A_434 = arith.constant 0 : i32
      %dma_start3A_435 = arith.constant 0 : i32
      %dma_start3A_436 = tpu.memref_slice %arg3[%dma_start3A_434, %dma_start3A_435] : memref<1000000x128xf32, #tpu.memory_space<hbm>> -> memref<1000000x128xf32, #tpu.memory_space<hbm>>
      tpu.enqueue_indirect_dma source(%dma_start3A_436 : memref<1000000x128xf32, #tpu.memory_space<hbm>>) target(%arg10 : memref<128x128xf32, #tpu.memory_space<vmem>>) offsets(%dma_start3A_433 : memref<128xi32, #tpu.memory_space<vmem>>) semaphore(%arg20 : memref<!tpu.dma_semaphore, #tpu.memory_space<semaphore_mem>>)
      %mul3A_437 = arith.constant 4 : i32
      %mul3A_438 = arith.muli %scan3A_382, %mul3A_437 : i32
      %add3A_439 = arith.constant 1 : i32
      %add3A_440 = arith.addi %mul3A_438, %add3A_439 : i32
      %dma_wait3A_441 = arith.constant 0 : i32
      %dma_wait3A_442 = arith.constant 0 : i32
      %dma_wait3A_443 = tpu.memref_slice %arg3[%dma_wait3A_441, %dma_wait3A_442] : memref<1000000x128xf32, #tpu.memory_space<hbm>> -> memref<128x128xf32, #tpu.memory_space<hbm>>
      %dma_wait3A_444 = arith.constant 0 : i32
      %dma_wait3A_445 = arith.constant 0 : i32
      %dma_wait3A_446 = tpu.memref_slice %arg3[%dma_wait3A_444, %dma_wait3A_445] : memref<1000000x128xf32, #tpu.memory_space<hbm>> -> memref<128x128xf32, #tpu.memory_space<hbm>>
      tpu.wait_dma2 semaphore(%arg18 : memref<!tpu.dma_semaphore, #tpu.memory_space<semaphore_mem>>) src(%dma_wait3A_446 : memref<128x128xf32, #tpu.memory_space<hbm>>) dst(%arg8 : memref<128x128xf32, #tpu.memory_space<vmem>>)
      %dma_wait3A_447 = arith.constant 0 : i32
      %dma_wait3A_448 = arith.constant 0 : i32
      %dma_wait3A_449 = arith.constant 0 : i32
      %dma_wait3A_450 = tpu.memref_slice %arg6[%arg1, %dma_wait3A_447, %dma_wait3A_448, %dma_wait3A_449] : memref<16x2x128x128xf32, #tpu.memory_space<vmem_shared>> -> memref<1x1x128x128xf32, #tpu.memory_space<vmem_shared>>
      %dma_wait3A_451 = tpu.memref_squeeze %dma_wait3A_450 : memref<1x1x128x128xf32, #tpu.memory_space<vmem_shared>> -> memref<128x128xf32, #tpu.memory_space<vmem_shared>>
      %dma_wait3A_452 = arith.constant 0 : i32
      %dma_wait3A_453 = arith.constant 0 : i32
      %dma_wait3A_454 = tpu.memref_slice %arg6[%arg1, %dma_wait3A_447, %dma_wait3A_452, %dma_wait3A_453] : memref<16x2x128x128xf32, #tpu.memory_space<vmem_shared>> -> memref<1x1x128x128xf32, #tpu.memory_space<vmem_shared>>
      %dma_wait3A_455 = tpu.memref_squeeze %dma_wait3A_454 : memref<1x1x128x128xf32, #tpu.memory_space<vmem_shared>> -> memref<128x128xf32, #tpu.memory_space<vmem_shared>>
      tpu.wait_dma2 semaphore(%arg11 : memref<!tpu.dma_semaphore, #tpu.memory_space<semaphore_mem>>) src(%arg7 : memref<128x128xf32, #tpu.memory_space<vmem>>) dst(%dma_wait3A_455 : memref<128x128xf32, #tpu.memory_space<vmem_shared>>)
      %sub3A_456 = arith.constant 1 : i32
      %sub3A_457 = arith.subi %add3A_440, %sub3A_456 : i32
      %mul3A_458 = arith.constant 128 : i32
      %mul3A_459 = arith.muli %sub3A_457, %mul3A_458 : i32
      %add3A_460 = arith.addi %mul3A_2, %mul3A_459 : i32
      %dma_start3A_461 = arith.constant 0 : i32
      %dma_start3A_462 = arith.constant 0 : i32
      %dma_start3A_463 = tpu.memref_slice %arg4[%add3A_460, %dma_start3A_462] : memref<819200x128xf32, #tpu.memory_space<hbm>> -> memref<128x128xf32, #tpu.memory_space<hbm>>
      %dma_start3A_464 = arith.constant 0 : i32
      %dma_start3A_465 = arith.constant 0 : i32
      %dma_start3A_466 = tpu.memref_slice %arg6[%arg1, %dma_start3A_461, %dma_start3A_464, %dma_start3A_465] : memref<16x2x128x128xf32, #tpu.memory_space<vmem_shared>> -> memref<1x1x128x128xf32, #tpu.memory_space<vmem_shared>>
      %dma_start3A_467 = tpu.memref_squeeze %dma_start3A_466 : memref<1x1x128x128xf32, #tpu.memory_space<vmem_shared>> -> memref<128x128xf32, #tpu.memory_space<vmem_shared>>
      tpu.enqueue_dma source(%dma_start3A_467 : memref<128x128xf32, #tpu.memory_space<vmem_shared>>) target(%dma_start3A_463 : memref<128x128xf32, #tpu.memory_space<hbm>>) target_semaphore(%arg15 : memref<!tpu.dma_semaphore, #tpu.memory_space<semaphore_mem>>)
      %dma_wait3A_468 = arith.constant 1 : i32
      %dma_wait3A_469 = arith.constant 0 : i32
      %dma_wait3A_470 = tpu.memref_slice %arg4[%mul3A_2, %dma_wait3A_469] : memref<819200x128xf32, #tpu.memory_space<hbm>> -> memref<128x128xf32, #tpu.memory_space<hbm>>
      %dma_wait3A_471 = arith.constant 0 : i32
      %dma_wait3A_472 = arith.constant 0 : i32
      %dma_wait3A_473 = tpu.memref_slice %arg6[%arg1, %dma_wait3A_468, %dma_wait3A_471, %dma_wait3A_472] : memref<16x2x128x128xf32, #tpu.memory_space<vmem_shared>> -> memref<1x1x128x128xf32, #tpu.memory_space<vmem_shared>>
      %dma_wait3A_474 = tpu.memref_squeeze %dma_wait3A_473 : memref<1x1x128x128xf32, #tpu.memory_space<vmem_shared>> -> memref<128x128xf32, #tpu.memory_space<vmem_shared>>
      tpu.wait_dma2 semaphore(%arg16 : memref<!tpu.dma_semaphore, #tpu.memory_space<semaphore_mem>>) src(%dma_wait3A_474 : memref<128x128xf32, #tpu.memory_space<vmem_shared>>) dst(%dma_wait3A_470 : memref<128x128xf32, #tpu.memory_space<hbm>>)
      %dma_start3A_475 = arith.constant 1 : i32
      %dma_start3A_476 = arith.constant 0 : i32
      %dma_start3A_477 = arith.constant 0 : i32
      %dma_start3A_478 = tpu.memref_slice %arg6[%arg1, %dma_start3A_475, %dma_start3A_476, %dma_start3A_477] : memref<16x2x128x128xf32, #tpu.memory_space<vmem_shared>> -> memref<1x1x128x128xf32, #tpu.memory_space<vmem_shared>>
      %dma_start3A_479 = tpu.memref_squeeze %dma_start3A_478 : memref<1x1x128x128xf32, #tpu.memory_space<vmem_shared>> -> memref<128x128xf32, #tpu.memory_space<vmem_shared>>
      %dma_start3A_480 = arith.constant 0 : i32
      %dma_start3A_481 = arith.constant 0 : i32
      %dma_start3A_482 = tpu.memref_slice %arg6[%arg1, %dma_start3A_475, %dma_start3A_480, %dma_start3A_481] : memref<16x2x128x128xf32, #tpu.memory_space<vmem_shared>> -> memref<1x1x128x128xf32, #tpu.memory_space<vmem_shared>>
      %dma_start3A_483 = tpu.memref_squeeze %dma_start3A_482 : memref<1x1x128x128xf32, #tpu.memory_space<vmem_shared>> -> memref<128x128xf32, #tpu.memory_space<vmem_shared>>
      tpu.enqueue_dma source(%arg8 : memref<128x128xf32, #tpu.memory_space<vmem>>) target(%dma_start3A_483 : memref<128x128xf32, #tpu.memory_space<vmem_shared>>) target_semaphore(%arg12 : memref<!tpu.dma_semaphore, #tpu.memory_space<semaphore_mem>>)
      %add3A_484 = arith.constant 3 : i32
      %add3A_485 = arith.addi %add3A_440, %add3A_484 : i32
      %dma_start3A_486 = arith.constant 0 : i32
      %dma_start3A_487 = tpu.memref_slice %arg5[%add3A_485, %dma_start3A_486] : memref<200x128xi32, #tpu.memory_space<vmem>> -> memref<1x128xi32, #tpu.memory_space<vmem>>
      %dma_start3A_488 = tpu.memref_squeeze %dma_start3A_487 : memref<1x128xi32, #tpu.memory_space<vmem>> -> memref<128xi32, #tpu.memory_space<vmem>>
      %dma_start3A_489 = arith.constant 0 : i32
      %dma_start3A_490 = arith.constant 0 : i32
      %dma_start3A_491 = tpu.memref_slice %arg3[%dma_start3A_489, %dma_start3A_490] : memref<1000000x128xf32, #tpu.memory_space<hbm>> -> memref<1000000x128xf32, #tpu.memory_space<hbm>>
      tpu.enqueue_indirect_dma source(%dma_start3A_491 : memref<1000000x128xf32, #tpu.memory_space<hbm>>) target(%arg7 : memref<128x128xf32, #tpu.memory_space<vmem>>) offsets(%dma_start3A_488 : memref<128xi32, #tpu.memory_space<vmem>>) semaphore(%arg17 : memref<!tpu.dma_semaphore, #tpu.memory_space<semaphore_mem>>)
      %mul3A_492 = arith.constant 4 : i32
      %mul3A_493 = arith.muli %scan3A_382, %mul3A_492 : i32
      %add3A_494 = arith.constant 2 : i32
      %add3A_495 = arith.addi %mul3A_493, %add3A_494 : i32
      %dma_wait3A_496 = arith.constant 0 : i32
      %dma_wait3A_497 = arith.constant 0 : i32
      %dma_wait3A_498 = tpu.memref_slice %arg3[%dma_wait3A_496, %dma_wait3A_497] : memref<1000000x128xf32, #tpu.memory_space<hbm>> -> memref<128x128xf32, #tpu.memory_space<hbm>>
      %dma_wait3A_499 = arith.constant 0 : i32
      %dma_wait3A_500 = arith.constant 0 : i32
      %dma_wait3A_501 = tpu.memref_slice %arg3[%dma_wait3A_499, %dma_wait3A_500] : memref<1000000x128xf32, #tpu.memory_space<hbm>> -> memref<128x128xf32, #tpu.memory_space<hbm>>
      tpu.wait_dma2 semaphore(%arg19 : memref<!tpu.dma_semaphore, #tpu.memory_space<semaphore_mem>>) src(%dma_wait3A_501 : memref<128x128xf32, #tpu.memory_space<hbm>>) dst(%arg9 : memref<128x128xf32, #tpu.memory_space<vmem>>)
      %dma_wait3A_502 = arith.constant 0 : i32
      %dma_wait3A_503 = arith.constant 0 : i32
      %dma_wait3A_504 = arith.constant 0 : i32
      %dma_wait3A_505 = tpu.memref_slice %arg6[%arg1, %dma_wait3A_502, %dma_wait3A_503, %dma_wait3A_504] : memref<16x2x128x128xf32, #tpu.memory_space<vmem_shared>> -> memref<1x1x128x128xf32, #tpu.memory_space<vmem_shared>>
      %dma_wait3A_506 = tpu.memref_squeeze %dma_wait3A_505 : memref<1x1x128x128xf32, #tpu.memory_space<vmem_shared>> -> memref<128x128xf32, #tpu.memory_space<vmem_shared>>
      %dma_wait3A_507 = arith.constant 0 : i32
      %dma_wait3A_508 = arith.constant 0 : i32
      %dma_wait3A_509 = tpu.memref_slice %arg6[%arg1, %dma_wait3A_502, %dma_wait3A_507, %dma_wait3A_508] : memref<16x2x128x128xf32, #tpu.memory_space<vmem_shared>> -> memref<1x1x128x128xf32, #tpu.memory_space<vmem_shared>>
      %dma_wait3A_510 = tpu.memref_squeeze %dma_wait3A_509 : memref<1x1x128x128xf32, #tpu.memory_space<vmem_shared>> -> memref<128x128xf32, #tpu.memory_space<vmem_shared>>
      tpu.wait_dma2 semaphore(%arg12 : memref<!tpu.dma_semaphore, #tpu.memory_space<semaphore_mem>>) src(%arg8 : memref<128x128xf32, #tpu.memory_space<vmem>>) dst(%dma_wait3A_510 : memref<128x128xf32, #tpu.memory_space<vmem_shared>>)
      %sub3A_511 = arith.constant 1 : i32
      %sub3A_512 = arith.subi %add3A_495, %sub3A_511 : i32
      %mul3A_513 = arith.constant 128 : i32
      %mul3A_514 = arith.muli %sub3A_512, %mul3A_513 : i32
      %add3A_515 = arith.addi %mul3A_2, %mul3A_514 : i32
      %dma_start3A_516 = arith.constant 1 : i32
      %dma_start3A_517 = arith.constant 0 : i32
      %dma_start3A_518 = tpu.memref_slice %arg4[%add3A_515, %dma_start3A_517] : memref<819200x128xf32, #tpu.memory_space<hbm>> -> memref<128x128xf32, #tpu.memory_space<hbm>>
      %dma_start3A_519 = arith.constant 0 : i32
      %dma_start3A_520 = arith.constant 0 : i32
      %dma_start3A_521 = tpu.memref_slice %arg6[%arg1, %dma_start3A_516, %dma_start3A_519, %dma_start3A_520] : memref<16x2x128x128xf32, #tpu.memory_space<vmem_shared>> -> memref<1x1x128x128xf32, #tpu.memory_space<vmem_shared>>
      %dma_start3A_522 = tpu.memref_squeeze %dma_start3A_521 : memref<1x1x128x128xf32, #tpu.memory_space<vmem_shared>> -> memref<128x128xf32, #tpu.memory_space<vmem_shared>>
      tpu.enqueue_dma source(%dma_start3A_522 : memref<128x128xf32, #tpu.memory_space<vmem_shared>>) target(%dma_start3A_518 : memref<128x128xf32, #tpu.memory_space<hbm>>) target_semaphore(%arg16 : memref<!tpu.dma_semaphore, #tpu.memory_space<semaphore_mem>>)
      %dma_wait3A_523 = arith.constant 0 : i32
      %dma_wait3A_524 = arith.constant 0 : i32
      %dma_wait3A_525 = tpu.memref_slice %arg4[%mul3A_2, %dma_wait3A_524] : memref<819200x128xf32, #tpu.memory_space<hbm>> -> memref<128x128xf32, #tpu.memory_space<hbm>>
      %dma_wait3A_526 = arith.constant 0 : i32
      %dma_wait3A_527 = arith.constant 0 : i32
      %dma_wait3A_528 = tpu.memref_slice %arg6[%arg1, %dma_wait3A_523, %dma_wait3A_526, %dma_wait3A_527] : memref<16x2x128x128xf32, #tpu.memory_space<vmem_shared>> -> memref<1x1x128x128xf32, #tpu.memory_space<vmem_shared>>
      %dma_wait3A_529 = tpu.memref_squeeze %dma_wait3A_528 : memref<1x1x128x128xf32, #tpu.memory_space<vmem_shared>> -> memref<128x128xf32, #tpu.memory_space<vmem_shared>>
      tpu.wait_dma2 semaphore(%arg15 : memref<!tpu.dma_semaphore, #tpu.memory_space<semaphore_mem>>) src(%dma_wait3A_529 : memref<128x128xf32, #tpu.memory_space<vmem_shared>>) dst(%dma_wait3A_525 : memref<128x128xf32, #tpu.memory_space<hbm>>)
      %dma_start3A_530 = arith.constant 0 : i32
      %dma_start3A_531 = arith.constant 0 : i32
      %dma_start3A_532 = arith.constant 0 : i32
      %dma_start3A_533 = tpu.memref_slice %arg6[%arg1, %dma_start3A_530, %dma_start3A_531, %dma_start3A_532] : memref<16x2x128x128xf32, #tpu.memory_space<vmem_shared>> -> memref<1x1x128x128xf32, #tpu.memory_space<vmem_shared>>
      %dma_start3A_534 = tpu.memref_squeeze %dma_start3A_533 : memref<1x1x128x128xf32, #tpu.memory_space<vmem_shared>> -> memref<128x128xf32, #tpu.memory_space<vmem_shared>>
      %dma_start3A_535 = arith.constant 0 : i32
      %dma_start3A_536 = arith.constant 0 : i32
      %dma_start3A_537 = tpu.memref_slice %arg6[%arg1, %dma_start3A_530, %dma_start3A_535, %dma_start3A_536] : memref<16x2x128x128xf32, #tpu.memory_space<vmem_shared>> -> memref<1x1x128x128xf32, #tpu.memory_space<vmem_shared>>
      %dma_start3A_538 = tpu.memref_squeeze %dma_start3A_537 : memref<1x1x128x128xf32, #tpu.memory_space<vmem_shared>> -> memref<128x128xf32, #tpu.memory_space<vmem_shared>>
      tpu.enqueue_dma source(%arg9 : memref<128x128xf32, #tpu.memory_space<vmem>>) target(%dma_start3A_538 : memref<128x128xf32, #tpu.memory_space<vmem_shared>>) target_semaphore(%arg13 : memref<!tpu.dma_semaphore, #tpu.memory_space<semaphore_mem>>)
      %add3A_539 = arith.constant 3 : i32
      %add3A_540 = arith.addi %add3A_495, %add3A_539 : i32
      %dma_start3A_541 = arith.constant 0 : i32
      %dma_start3A_542 = tpu.memref_slice %arg5[%add3A_540, %dma_start3A_541] : memref<200x128xi32, #tpu.memory_space<vmem>> -> memref<1x128xi32, #tpu.memory_space<vmem>>
      %dma_start3A_543 = tpu.memref_squeeze %dma_start3A_542 : memref<1x128xi32, #tpu.memory_space<vmem>> -> memref<128xi32, #tpu.memory_space<vmem>>
      %dma_start3A_544 = arith.constant 0 : i32
      %dma_start3A_545 = arith.constant 0 : i32
      %dma_start3A_546 = tpu.memref_slice %arg3[%dma_start3A_544, %dma_start3A_545] : memref<1000000x128xf32, #tpu.memory_space<hbm>> -> memref<1000000x128xf32, #tpu.memory_space<hbm>>
      tpu.enqueue_indirect_dma source(%dma_start3A_546 : memref<1000000x128xf32, #tpu.memory_space<hbm>>) target(%arg8 : memref<128x128xf32, #tpu.memory_space<vmem>>) offsets(%dma_start3A_543 : memref<128xi32, #tpu.memory_space<vmem>>) semaphore(%arg18 : memref<!tpu.dma_semaphore, #tpu.memory_space<semaphore_mem>>)
      %mul3A_547 = arith.constant 4 : i32
      %mul3A_548 = arith.muli %scan3A_382, %mul3A_547 : i32
      %add3A_549 = arith.constant 3 : i32
      %add3A_550 = arith.addi %mul3A_548, %add3A_549 : i32
      %dma_wait3A_551 = arith.constant 0 : i32
      %dma_wait3A_552 = arith.constant 0 : i32
      %dma_wait3A_553 = tpu.memref_slice %arg3[%dma_wait3A_551, %dma_wait3A_552] : memref<1000000x128xf32, #tpu.memory_space<hbm>> -> memref<128x128xf32, #tpu.memory_space<hbm>>
      %dma_wait3A_554 = arith.constant 0 : i32
      %dma_wait3A_555 = arith.constant 0 : i32
      %dma_wait3A_556 = tpu.memref_slice %arg3[%dma_wait3A_554, %dma_wait3A_555] : memref<1000000x128xf32, #tpu.memory_space<hbm>> -> memref<128x128xf32, #tpu.memory_space<hbm>>
      tpu.wait_dma2 semaphore(%arg20 : memref<!tpu.dma_semaphore, #tpu.memory_space<semaphore_mem>>) src(%dma_wait3A_556 : memref<128x128xf32, #tpu.memory_space<hbm>>) dst(%arg10 : memref<128x128xf32, #tpu.memory_space<vmem>>)
      %dma_wait3A_557 = arith.constant 0 : i32
      %dma_wait3A_558 = arith.constant 0 : i32
      %dma_wait3A_559 = arith.constant 0 : i32
      %dma_wait3A_560 = tpu.memref_slice %arg6[%arg1, %dma_wait3A_557, %dma_wait3A_558, %dma_wait3A_559] : memref<16x2x128x128xf32, #tpu.memory_space<vmem_shared>> -> memref<1x1x128x128xf32, #tpu.memory_space<vmem_shared>>
      %dma_wait3A_561 = tpu.memref_squeeze %dma_wait3A_560 : memref<1x1x128x128xf32, #tpu.memory_space<vmem_shared>> -> memref<128x128xf32, #tpu.memory_space<vmem_shared>>
      %dma_wait3A_562 = arith.constant 0 : i32
      %dma_wait3A_563 = arith.constant 0 : i32
      %dma_wait3A_564 = tpu.memref_slice %arg6[%arg1, %dma_wait3A_557, %dma_wait3A_562, %dma_wait3A_563] : memref<16x2x128x128xf32, #tpu.memory_space<vmem_shared>> -> memref<1x1x128x128xf32, #tpu.memory_space<vmem_shared>>
      %dma_wait3A_565 = tpu.memref_squeeze %dma_wait3A_564 : memref<1x1x128x128xf32, #tpu.memory_space<vmem_shared>> -> memref<128x128xf32, #tpu.memory_space<vmem_shared>>
      tpu.wait_dma2 semaphore(%arg13 : memref<!tpu.dma_semaphore, #tpu.memory_space<semaphore_mem>>) src(%arg9 : memref<128x128xf32, #tpu.memory_space<vmem>>) dst(%dma_wait3A_565 : memref<128x128xf32, #tpu.memory_space<vmem_shared>>)
      %sub3A_566 = arith.constant 1 : i32
      %sub3A_567 = arith.subi %add3A_550, %sub3A_566 : i32
      %mul3A_568 = arith.constant 128 : i32
      %mul3A_569 = arith.muli %sub3A_567, %mul3A_568 : i32
      %add3A_570 = arith.addi %mul3A_2, %mul3A_569 : i32
      %dma_start3A_571 = arith.constant 0 : i32
      %dma_start3A_572 = arith.constant 0 : i32
      %dma_start3A_573 = tpu.memref_slice %arg4[%add3A_570, %dma_start3A_572] : memref<819200x128xf32, #tpu.memory_space<hbm>> -> memref<128x128xf32, #tpu.memory_space<hbm>>
      %dma_start3A_574 = arith.constant 0 : i32
      %dma_start3A_575 = arith.constant 0 : i32
      %dma_start3A_576 = tpu.memref_slice %arg6[%arg1, %dma_start3A_571, %dma_start3A_574, %dma_start3A_575] : memref<16x2x128x128xf32, #tpu.memory_space<vmem_shared>> -> memref<1x1x128x128xf32, #tpu.memory_space<vmem_shared>>
      %dma_start3A_577 = tpu.memref_squeeze %dma_start3A_576 : memref<1x1x128x128xf32, #tpu.memory_space<vmem_shared>> -> memref<128x128xf32, #tpu.memory_space<vmem_shared>>
      tpu.enqueue_dma source(%dma_start3A_577 : memref<128x128xf32, #tpu.memory_space<vmem_shared>>) target(%dma_start3A_573 : memref<128x128xf32, #tpu.memory_space<hbm>>) target_semaphore(%arg15 : memref<!tpu.dma_semaphore, #tpu.memory_space<semaphore_mem>>)
      %dma_wait3A_578 = arith.constant 1 : i32
      %dma_wait3A_579 = arith.constant 0 : i32
      %dma_wait3A_580 = tpu.memref_slice %arg4[%mul3A_2, %dma_wait3A_579] : memref<819200x128xf32, #tpu.memory_space<hbm>> -> memref<128x128xf32, #tpu.memory_space<hbm>>
      %dma_wait3A_581 = arith.constant 0 : i32
      %dma_wait3A_582 = arith.constant 0 : i32
      %dma_wait3A_583 = tpu.memref_slice %arg6[%arg1, %dma_wait3A_578, %dma_wait3A_581, %dma_wait3A_582] : memref<16x2x128x128xf32, #tpu.memory_space<vmem_shared>> -> memref<1x1x128x128xf32, #tpu.memory_space<vmem_shared>>
      %dma_wait3A_584 = tpu.memref_squeeze %dma_wait3A_583 : memref<1x1x128x128xf32, #tpu.memory_space<vmem_shared>> -> memref<128x128xf32, #tpu.memory_space<vmem_shared>>
      tpu.wait_dma2 semaphore(%arg16 : memref<!tpu.dma_semaphore, #tpu.memory_space<semaphore_mem>>) src(%dma_wait3A_584 : memref<128x128xf32, #tpu.memory_space<vmem_shared>>) dst(%dma_wait3A_580 : memref<128x128xf32, #tpu.memory_space<hbm>>)
      %dma_start3A_585 = arith.constant 1 : i32
      %dma_start3A_586 = arith.constant 0 : i32
      %dma_start3A_587 = arith.constant 0 : i32
      %dma_start3A_588 = tpu.memref_slice %arg6[%arg1, %dma_start3A_585, %dma_start3A_586, %dma_start3A_587] : memref<16x2x128x128xf32, #tpu.memory_space<vmem_shared>> -> memref<1x1x128x128xf32, #tpu.memory_space<vmem_shared>>
      %dma_start3A_589 = tpu.memref_squeeze %dma_start3A_588 : memref<1x1x128x128xf32, #tpu.memory_space<vmem_shared>> -> memref<128x128xf32, #tpu.memory_space<vmem_shared>>
      %dma_start3A_590 = arith.constant 0 : i32
      %dma_start3A_591 = arith.constant 0 : i32
      %dma_start3A_592 = tpu.memref_slice %arg6[%arg1, %dma_start3A_585, %dma_start3A_590, %dma_start3A_591] : memref<16x2x128x128xf32, #tpu.memory_space<vmem_shared>> -> memref<1x1x128x128xf32, #tpu.memory_space<vmem_shared>>
      %dma_start3A_593 = tpu.memref_squeeze %dma_start3A_592 : memref<1x1x128x128xf32, #tpu.memory_space<vmem_shared>> -> memref<128x128xf32, #tpu.memory_space<vmem_shared>>
      tpu.enqueue_dma source(%arg10 : memref<128x128xf32, #tpu.memory_space<vmem>>) target(%dma_start3A_593 : memref<128x128xf32, #tpu.memory_space<vmem_shared>>) target_semaphore(%arg14 : memref<!tpu.dma_semaphore, #tpu.memory_space<semaphore_mem>>)
      %add3A_594 = arith.constant 3 : i32
      %add3A_595 = arith.addi %add3A_550, %add3A_594 : i32
      %dma_start3A_596 = arith.constant 0 : i32
      %dma_start3A_597 = tpu.memref_slice %arg5[%add3A_595, %dma_start3A_596] : memref<200x128xi32, #tpu.memory_space<vmem>> -> memref<1x128xi32, #tpu.memory_space<vmem>>
      %dma_start3A_598 = tpu.memref_squeeze %dma_start3A_597 : memref<1x128xi32, #tpu.memory_space<vmem>> -> memref<128xi32, #tpu.memory_space<vmem>>
      %dma_start3A_599 = arith.constant 0 : i32
      %dma_start3A_600 = arith.constant 0 : i32
      %dma_start3A_601 = tpu.memref_slice %arg3[%dma_start3A_599, %dma_start3A_600] : memref<1000000x128xf32, #tpu.memory_space<hbm>> -> memref<1000000x128xf32, #tpu.memory_space<hbm>>
      tpu.enqueue_indirect_dma source(%dma_start3A_601 : memref<1000000x128xf32, #tpu.memory_space<hbm>>) target(%arg9 : memref<128x128xf32, #tpu.memory_space<vmem>>) offsets(%dma_start3A_598 : memref<128xi32, #tpu.memory_space<vmem>>) semaphore(%arg19 : memref<!tpu.dma_semaphore, #tpu.memory_space<semaphore_mem>>)
    }
    %scan3A_182 = arith.constant 48 : i32
    %dma_wait3A_183 = arith.constant 0 : i32
    %dma_wait3A_184 = arith.constant 0 : i32
    %dma_wait3A_185 = tpu.memref_slice %arg3[%dma_wait3A_183, %dma_wait3A_184] : memref<1000000x128xf32, #tpu.memory_space<hbm>> -> memref<128x128xf32, #tpu.memory_space<hbm>>
    %dma_wait3A_186 = arith.constant 0 : i32
    %dma_wait3A_187 = arith.constant 0 : i32
    %dma_wait3A_188 = tpu.memref_slice %arg3[%dma_wait3A_186, %dma_wait3A_187] : memref<1000000x128xf32, #tpu.memory_space<hbm>> -> memref<128x128xf32, #tpu.memory_space<hbm>>
    tpu.wait_dma2 semaphore(%arg17 : memref<!tpu.dma_semaphore, #tpu.memory_space<semaphore_mem>>) src(%dma_wait3A_188 : memref<128x128xf32, #tpu.memory_space<hbm>>) dst(%arg7 : memref<128x128xf32, #tpu.memory_space<vmem>>)
    %dma_wait3A_189 = arith.constant 0 : i32
    %dma_wait3A_190 = arith.constant 0 : i32
    %dma_wait3A_191 = arith.constant 0 : i32
    %dma_wait3A_192 = tpu.memref_slice %arg6[%arg1, %dma_wait3A_189, %dma_wait3A_190, %dma_wait3A_191] : memref<16x2x128x128xf32, #tpu.memory_space<vmem_shared>> -> memref<1x1x128x128xf32, #tpu.memory_space<vmem_shared>>
    %dma_wait3A_193 = tpu.memref_squeeze %dma_wait3A_192 : memref<1x1x128x128xf32, #tpu.memory_space<vmem_shared>> -> memref<128x128xf32, #tpu.memory_space<vmem_shared>>
    %dma_wait3A_194 = arith.constant 0 : i32
    %dma_wait3A_195 = arith.constant 0 : i32
    %dma_wait3A_196 = tpu.memref_slice %arg6[%arg1, %dma_wait3A_189, %dma_wait3A_194, %dma_wait3A_195] : memref<16x2x128x128xf32, #tpu.memory_space<vmem_shared>> -> memref<1x1x128x128xf32, #tpu.memory_space<vmem_shared>>
    %dma_wait3A_197 = tpu.memref_squeeze %dma_wait3A_196 : memref<1x1x128x128xf32, #tpu.memory_space<vmem_shared>> -> memref<128x128xf32, #tpu.memory_space<vmem_shared>>
    tpu.wait_dma2 semaphore(%arg14 : memref<!tpu.dma_semaphore, #tpu.memory_space<semaphore_mem>>) src(%arg10 : memref<128x128xf32, #tpu.memory_space<vmem>>) dst(%dma_wait3A_197 : memref<128x128xf32, #tpu.memory_space<vmem_shared>>)
    %add3A_198 = arith.constant 24960 : i32
    %add3A_199 = arith.addi %mul3A_2, %add3A_198 : i32
    %dma_start3A_200 = arith.constant 1 : i32
    %dma_start3A_201 = arith.constant 0 : i32
    %dma_start3A_202 = tpu.memref_slice %arg4[%add3A_199, %dma_start3A_201] : memref<819200x128xf32, #tpu.memory_space<hbm>> -> memref<128x128xf32, #tpu.memory_space<hbm>>
    %dma_start3A_203 = arith.constant 0 : i32
    %dma_start3A_204 = arith.constant 0 : i32
    %dma_start3A_205 = tpu.memref_slice %arg6[%arg1, %dma_start3A_200, %dma_start3A_203, %dma_start3A_204] : memref<16x2x128x128xf32, #tpu.memory_space<vmem_shared>> -> memref<1x1x128x128xf32, #tpu.memory_space<vmem_shared>>
    %dma_start3A_206 = tpu.memref_squeeze %dma_start3A_205 : memref<1x1x128x128xf32, #tpu.memory_space<vmem_shared>> -> memref<128x128xf32, #tpu.memory_space<vmem_shared>>
    tpu.enqueue_dma source(%dma_start3A_206 : memref<128x128xf32, #tpu.memory_space<vmem_shared>>) target(%dma_start3A_202 : memref<128x128xf32, #tpu.memory_space<hbm>>) target_semaphore(%arg16 : memref<!tpu.dma_semaphore, #tpu.memory_space<semaphore_mem>>)
    %dma_wait3A_207 = arith.constant 0 : i32
    %dma_wait3A_208 = arith.constant 0 : i32
    %dma_wait3A_209 = tpu.memref_slice %arg4[%mul3A_2, %dma_wait3A_208] : memref<819200x128xf32, #tpu.memory_space<hbm>> -> memref<128x128xf32, #tpu.memory_space<hbm>>
    %dma_wait3A_210 = arith.constant 0 : i32
    %dma_wait3A_211 = arith.constant 0 : i32
    %dma_wait3A_212 = tpu.memref_slice %arg6[%arg1, %dma_wait3A_207, %dma_wait3A_210, %dma_wait3A_211] : memref<16x2x128x128xf32, #tpu.memory_space<vmem_shared>> -> memref<1x1x128x128xf32, #tpu.memory_space<vmem_shared>>
    %dma_wait3A_213 = tpu.memref_squeeze %dma_wait3A_212 : memref<1x1x128x128xf32, #tpu.memory_space<vmem_shared>> -> memref<128x128xf32, #tpu.memory_space<vmem_shared>>
    tpu.wait_dma2 semaphore(%arg15 : memref<!tpu.dma_semaphore, #tpu.memory_space<semaphore_mem>>) src(%dma_wait3A_213 : memref<128x128xf32, #tpu.memory_space<vmem_shared>>) dst(%dma_wait3A_209 : memref<128x128xf32, #tpu.memory_space<hbm>>)
    %dma_start3A_214 = arith.constant 0 : i32
    %dma_start3A_215 = arith.constant 0 : i32
    %dma_start3A_216 = arith.constant 0 : i32
    %dma_start3A_217 = tpu.memref_slice %arg6[%arg1, %dma_start3A_214, %dma_start3A_215, %dma_start3A_216] : memref<16x2x128x128xf32, #tpu.memory_space<vmem_shared>> -> memref<1x1x128x128xf32, #tpu.memory_space<vmem_shared>>
    %dma_start3A_218 = tpu.memref_squeeze %dma_start3A_217 : memref<1x1x128x128xf32, #tpu.memory_space<vmem_shared>> -> memref<128x128xf32, #tpu.memory_space<vmem_shared>>
    %dma_start3A_219 = arith.constant 0 : i32
    %dma_start3A_220 = arith.constant 0 : i32
    %dma_start3A_221 = tpu.memref_slice %arg6[%arg1, %dma_start3A_214, %dma_start3A_219, %dma_start3A_220] : memref<16x2x128x128xf32, #tpu.memory_space<vmem_shared>> -> memref<1x1x128x128xf32, #tpu.memory_space<vmem_shared>>
    %dma_start3A_222 = tpu.memref_squeeze %dma_start3A_221 : memref<1x1x128x128xf32, #tpu.memory_space<vmem_shared>> -> memref<128x128xf32, #tpu.memory_space<vmem_shared>>
    tpu.enqueue_dma source(%arg7 : memref<128x128xf32, #tpu.memory_space<vmem>>) target(%dma_start3A_222 : memref<128x128xf32, #tpu.memory_space<vmem_shared>>) target_semaphore(%arg11 : memref<!tpu.dma_semaphore, #tpu.memory_space<semaphore_mem>>)
    %dma_start3A_223 = arith.constant 199 : i32
    %dma_start3A_224 = arith.constant 0 : i32
    %dma_start3A_225 = tpu.memref_slice %arg5[%dma_start3A_223, %dma_start3A_224] : memref<200x128xi32, #tpu.memory_space<vmem>> -> memref<1x128xi32, #tpu.memory_space<vmem>>
    %dma_start3A_226 = tpu.memref_squeeze %dma_start3A_225 : memref<1x128xi32, #tpu.memory_space<vmem>> -> memref<128xi32, #tpu.memory_space<vmem>>
    %dma_start3A_227 = arith.constant 0 : i32
    %dma_start3A_228 = arith.constant 0 : i32
    %dma_start3A_229 = tpu.memref_slice %arg3[%dma_start3A_227, %dma_start3A_228] : memref<1000000x128xf32, #tpu.memory_space<hbm>> -> memref<1000000x128xf32, #tpu.memory_space<hbm>>
    tpu.enqueue_indirect_dma source(%dma_start3A_229 : memref<1000000x128xf32, #tpu.memory_space<hbm>>) target(%arg10 : memref<128x128xf32, #tpu.memory_space<vmem>>) offsets(%dma_start3A_226 : memref<128xi32, #tpu.memory_space<vmem>>) semaphore(%arg20 : memref<!tpu.dma_semaphore, #tpu.memory_space<semaphore_mem>>)
    %dma_wait3A_230 = arith.constant 0 : i32
    %dma_wait3A_231 = arith.constant 0 : i32
    %dma_wait3A_232 = tpu.memref_slice %arg3[%dma_wait3A_230, %dma_wait3A_231] : memref<1000000x128xf32, #tpu.memory_space<hbm>> -> memref<128x128xf32, #tpu.memory_space<hbm>>
    %dma_wait3A_233 = arith.constant 0 : i32
    %dma_wait3A_234 = arith.constant 0 : i32
    %dma_wait3A_235 = tpu.memref_slice %arg3[%dma_wait3A_233, %dma_wait3A_234] : memref<1000000x128xf32, #tpu.memory_space<hbm>> -> memref<128x128xf32, #tpu.memory_space<hbm>>
    tpu.wait_dma2 semaphore(%arg18 : memref<!tpu.dma_semaphore, #tpu.memory_space<semaphore_mem>>) src(%dma_wait3A_235 : memref<128x128xf32, #tpu.memory_space<hbm>>) dst(%arg8 : memref<128x128xf32, #tpu.memory_space<vmem>>)
    %dma_wait3A_236 = arith.constant 0 : i32
    %dma_wait3A_237 = arith.constant 0 : i32
    %dma_wait3A_238 = arith.constant 0 : i32
    %dma_wait3A_239 = tpu.memref_slice %arg6[%arg1, %dma_wait3A_236, %dma_wait3A_237, %dma_wait3A_238] : memref<16x2x128x128xf32, #tpu.memory_space<vmem_shared>> -> memref<1x1x128x128xf32, #tpu.memory_space<vmem_shared>>
    %dma_wait3A_240 = tpu.memref_squeeze %dma_wait3A_239 : memref<1x1x128x128xf32, #tpu.memory_space<vmem_shared>> -> memref<128x128xf32, #tpu.memory_space<vmem_shared>>
    %dma_wait3A_241 = arith.constant 0 : i32
    %dma_wait3A_242 = arith.constant 0 : i32
    %dma_wait3A_243 = tpu.memref_slice %arg6[%arg1, %dma_wait3A_236, %dma_wait3A_241, %dma_wait3A_242] : memref<16x2x128x128xf32, #tpu.memory_space<vmem_shared>> -> memref<1x1x128x128xf32, #tpu.memory_space<vmem_shared>>
    %dma_wait3A_244 = tpu.memref_squeeze %dma_wait3A_243 : memref<1x1x128x128xf32, #tpu.memory_space<vmem_shared>> -> memref<128x128xf32, #tpu.memory_space<vmem_shared>>
    tpu.wait_dma2 semaphore(%arg11 : memref<!tpu.dma_semaphore, #tpu.memory_space<semaphore_mem>>) src(%arg7 : memref<128x128xf32, #tpu.memory_space<vmem>>) dst(%dma_wait3A_244 : memref<128x128xf32, #tpu.memory_space<vmem_shared>>)
    %add3A_245 = arith.constant 25088 : i32
    %add3A_246 = arith.addi %mul3A_2, %add3A_245 : i32
    %dma_start3A_247 = arith.constant 0 : i32
    %dma_start3A_248 = arith.constant 0 : i32
    %dma_start3A_249 = tpu.memref_slice %arg4[%add3A_246, %dma_start3A_248] : memref<819200x128xf32, #tpu.memory_space<hbm>> -> memref<128x128xf32, #tpu.memory_space<hbm>>
    %dma_start3A_250 = arith.constant 0 : i32
    %dma_start3A_251 = arith.constant 0 : i32
    %dma_start3A_252 = tpu.memref_slice %arg6[%arg1, %dma_start3A_247, %dma_start3A_250, %dma_start3A_251] : memref<16x2x128x128xf32, #tpu.memory_space<vmem_shared>> -> memref<1x1x128x128xf32, #tpu.memory_space<vmem_shared>>
    %dma_start3A_253 = tpu.memref_squeeze %dma_start3A_252 : memref<1x1x128x128xf32, #tpu.memory_space<vmem_shared>> -> memref<128x128xf32, #tpu.memory_space<vmem_shared>>
    tpu.enqueue_dma source(%dma_start3A_253 : memref<128x128xf32, #tpu.memory_space<vmem_shared>>) target(%dma_start3A_249 : memref<128x128xf32, #tpu.memory_space<hbm>>) target_semaphore(%arg15 : memref<!tpu.dma_semaphore, #tpu.memory_space<semaphore_mem>>)
    %dma_wait3A_254 = arith.constant 1 : i32
    %dma_wait3A_255 = arith.constant 0 : i32
    %dma_wait3A_256 = tpu.memref_slice %arg4[%mul3A_2, %dma_wait3A_255] : memref<819200x128xf32, #tpu.memory_space<hbm>> -> memref<128x128xf32, #tpu.memory_space<hbm>>
    %dma_wait3A_257 = arith.constant 0 : i32
    %dma_wait3A_258 = arith.constant 0 : i32
    %dma_wait3A_259 = tpu.memref_slice %arg6[%arg1, %dma_wait3A_254, %dma_wait3A_257, %dma_wait3A_258] : memref<16x2x128x128xf32, #tpu.memory_space<vmem_shared>> -> memref<1x1x128x128xf32, #tpu.memory_space<vmem_shared>>
    %dma_wait3A_260 = tpu.memref_squeeze %dma_wait3A_259 : memref<1x1x128x128xf32, #tpu.memory_space<vmem_shared>> -> memref<128x128xf32, #tpu.memory_space<vmem_shared>>
    tpu.wait_dma2 semaphore(%arg16 : memref<!tpu.dma_semaphore, #tpu.memory_space<semaphore_mem>>) src(%dma_wait3A_260 : memref<128x128xf32, #tpu.memory_space<vmem_shared>>) dst(%dma_wait3A_256 : memref<128x128xf32, #tpu.memory_space<hbm>>)
    %dma_start3A_261 = arith.constant 1 : i32
    %dma_start3A_262 = arith.constant 0 : i32
    %dma_start3A_263 = arith.constant 0 : i32
    %dma_start3A_264 = tpu.memref_slice %arg6[%arg1, %dma_start3A_261, %dma_start3A_262, %dma_start3A_263] : memref<16x2x128x128xf32, #tpu.memory_space<vmem_shared>> -> memref<1x1x128x128xf32, #tpu.memory_space<vmem_shared>>
    %dma_start3A_265 = tpu.memref_squeeze %dma_start3A_264 : memref<1x1x128x128xf32, #tpu.memory_space<vmem_shared>> -> memref<128x128xf32, #tpu.memory_space<vmem_shared>>
    %dma_start3A_266 = arith.constant 0 : i32
    %dma_start3A_267 = arith.constant 0 : i32
    %dma_start3A_268 = tpu.memref_slice %arg6[%arg1, %dma_start3A_261, %dma_start3A_266, %dma_start3A_267] : memref<16x2x128x128xf32, #tpu.memory_space<vmem_shared>> -> memref<1x1x128x128xf32, #tpu.memory_space<vmem_shared>>
    %dma_start3A_269 = tpu.memref_squeeze %dma_start3A_268 : memref<1x1x128x128xf32, #tpu.memory_space<vmem_shared>> -> memref<128x128xf32, #tpu.memory_space<vmem_shared>>
    tpu.enqueue_dma source(%arg8 : memref<128x128xf32, #tpu.memory_space<vmem>>) target(%dma_start3A_269 : memref<128x128xf32, #tpu.memory_space<vmem_shared>>) target_semaphore(%arg12 : memref<!tpu.dma_semaphore, #tpu.memory_space<semaphore_mem>>)
    %dma_wait3A_270 = arith.constant 0 : i32
    %dma_wait3A_271 = arith.constant 0 : i32
    %dma_wait3A_272 = tpu.memref_slice %arg3[%dma_wait3A_270, %dma_wait3A_271] : memref<1000000x128xf32, #tpu.memory_space<hbm>> -> memref<128x128xf32, #tpu.memory_space<hbm>>
    %dma_wait3A_273 = arith.constant 0 : i32
    %dma_wait3A_274 = arith.constant 0 : i32
    %dma_wait3A_275 = tpu.memref_slice %arg3[%dma_wait3A_273, %dma_wait3A_274] : memref<1000000x128xf32, #tpu.memory_space<hbm>> -> memref<128x128xf32, #tpu.memory_space<hbm>>
    tpu.wait_dma2 semaphore(%arg19 : memref<!tpu.dma_semaphore, #tpu.memory_space<semaphore_mem>>) src(%dma_wait3A_275 : memref<128x128xf32, #tpu.memory_space<hbm>>) dst(%arg9 : memref<128x128xf32, #tpu.memory_space<vmem>>)
    %dma_wait3A_276 = arith.constant 0 : i32
    %dma_wait3A_277 = arith.constant 0 : i32
    %dma_wait3A_278 = arith.constant 0 : i32
    %dma_wait3A_279 = tpu.memref_slice %arg6[%arg1, %dma_wait3A_276, %dma_wait3A_277, %dma_wait3A_278] : memref<16x2x128x128xf32, #tpu.memory_space<vmem_shared>> -> memref<1x1x128x128xf32, #tpu.memory_space<vmem_shared>>
    %dma_wait3A_280 = tpu.memref_squeeze %dma_wait3A_279 : memref<1x1x128x128xf32, #tpu.memory_space<vmem_shared>> -> memref<128x128xf32, #tpu.memory_space<vmem_shared>>
    %dma_wait3A_281 = arith.constant 0 : i32
    %dma_wait3A_282 = arith.constant 0 : i32
    %dma_wait3A_283 = tpu.memref_slice %arg6[%arg1, %dma_wait3A_276, %dma_wait3A_281, %dma_wait3A_282] : memref<16x2x128x128xf32, #tpu.memory_space<vmem_shared>> -> memref<1x1x128x128xf32, #tpu.memory_space<vmem_shared>>
    %dma_wait3A_284 = tpu.memref_squeeze %dma_wait3A_283 : memref<1x1x128x128xf32, #tpu.memory_space<vmem_shared>> -> memref<128x128xf32, #tpu.memory_space<vmem_shared>>
    tpu.wait_dma2 semaphore(%arg12 : memref<!tpu.dma_semaphore, #tpu.memory_space<semaphore_mem>>) src(%arg8 : memref<128x128xf32, #tpu.memory_space<vmem>>) dst(%dma_wait3A_284 : memref<128x128xf32, #tpu.memory_space<vmem_shared>>)
    %add3A_285 = arith.constant 25216 : i32
    %add3A_286 = arith.addi %mul3A_2, %add3A_285 : i32
    %dma_start3A_287 = arith.constant 1 : i32
    %dma_start3A_288 = arith.constant 0 : i32
    %dma_start3A_289 = tpu.memref_slice %arg4[%add3A_286, %dma_start3A_288] : memref<819200x128xf32, #tpu.memory_space<hbm>> -> memref<128x128xf32, #tpu.memory_space<hbm>>
    %dma_start3A_290 = arith.constant 0 : i32
    %dma_start3A_291 = arith.constant 0 : i32
    %dma_start3A_292 = tpu.memref_slice %arg6[%arg1, %dma_start3A_287, %dma_start3A_290, %dma_start3A_291] : memref<16x2x128x128xf32, #tpu.memory_space<vmem_shared>> -> memref<1x1x128x128xf32, #tpu.memory_space<vmem_shared>>
    %dma_start3A_293 = tpu.memref_squeeze %dma_start3A_292 : memref<1x1x128x128xf32, #tpu.memory_space<vmem_shared>> -> memref<128x128xf32, #tpu.memory_space<vmem_shared>>
    tpu.enqueue_dma source(%dma_start3A_293 : memref<128x128xf32, #tpu.memory_space<vmem_shared>>) target(%dma_start3A_289 : memref<128x128xf32, #tpu.memory_space<hbm>>) target_semaphore(%arg16 : memref<!tpu.dma_semaphore, #tpu.memory_space<semaphore_mem>>)
    %dma_wait3A_294 = arith.constant 0 : i32
    %dma_wait3A_295 = arith.constant 0 : i32
    %dma_wait3A_296 = tpu.memref_slice %arg4[%mul3A_2, %dma_wait3A_295] : memref<819200x128xf32, #tpu.memory_space<hbm>> -> memref<128x128xf32, #tpu.memory_space<hbm>>
    %dma_wait3A_297 = arith.constant 0 : i32
    %dma_wait3A_298 = arith.constant 0 : i32
    %dma_wait3A_299 = tpu.memref_slice %arg6[%arg1, %dma_wait3A_294, %dma_wait3A_297, %dma_wait3A_298] : memref<16x2x128x128xf32, #tpu.memory_space<vmem_shared>> -> memref<1x1x128x128xf32, #tpu.memory_space<vmem_shared>>
    %dma_wait3A_300 = tpu.memref_squeeze %dma_wait3A_299 : memref<1x1x128x128xf32, #tpu.memory_space<vmem_shared>> -> memref<128x128xf32, #tpu.memory_space<vmem_shared>>
    tpu.wait_dma2 semaphore(%arg15 : memref<!tpu.dma_semaphore, #tpu.memory_space<semaphore_mem>>) src(%dma_wait3A_300 : memref<128x128xf32, #tpu.memory_space<vmem_shared>>) dst(%dma_wait3A_296 : memref<128x128xf32, #tpu.memory_space<hbm>>)
    %dma_start3A_301 = arith.constant 0 : i32
    %dma_start3A_302 = arith.constant 0 : i32
    %dma_start3A_303 = arith.constant 0 : i32
    %dma_start3A_304 = tpu.memref_slice %arg6[%arg1, %dma_start3A_301, %dma_start3A_302, %dma_start3A_303] : memref<16x2x128x128xf32, #tpu.memory_space<vmem_shared>> -> memref<1x1x128x128xf32, #tpu.memory_space<vmem_shared>>
    %dma_start3A_305 = tpu.memref_squeeze %dma_start3A_304 : memref<1x1x128x128xf32, #tpu.memory_space<vmem_shared>> -> memref<128x128xf32, #tpu.memory_space<vmem_shared>>
    %dma_start3A_306 = arith.constant 0 : i32
    %dma_start3A_307 = arith.constant 0 : i32
    %dma_start3A_308 = tpu.memref_slice %arg6[%arg1, %dma_start3A_301, %dma_start3A_306, %dma_start3A_307] : memref<16x2x128x128xf32, #tpu.memory_space<vmem_shared>> -> memref<1x1x128x128xf32, #tpu.memory_space<vmem_shared>>
    %dma_start3A_309 = tpu.memref_squeeze %dma_start3A_308 : memref<1x1x128x128xf32, #tpu.memory_space<vmem_shared>> -> memref<128x128xf32, #tpu.memory_space<vmem_shared>>
    tpu.enqueue_dma source(%arg9 : memref<128x128xf32, #tpu.memory_space<vmem>>) target(%dma_start3A_309 : memref<128x128xf32, #tpu.memory_space<vmem_shared>>) target_semaphore(%arg13 : memref<!tpu.dma_semaphore, #tpu.memory_space<semaphore_mem>>)
    %dma_wait3A_310 = arith.constant 0 : i32
    %dma_wait3A_311 = arith.constant 0 : i32
    %dma_wait3A_312 = tpu.memref_slice %arg3[%dma_wait3A_310, %dma_wait3A_311] : memref<1000000x128xf32, #tpu.memory_space<hbm>> -> memref<128x128xf32, #tpu.memory_space<hbm>>
    %dma_wait3A_313 = arith.constant 0 : i32
    %dma_wait3A_314 = arith.constant 0 : i32
    %dma_wait3A_315 = tpu.memref_slice %arg3[%dma_wait3A_313, %dma_wait3A_314] : memref<1000000x128xf32, #tpu.memory_space<hbm>> -> memref<128x128xf32, #tpu.memory_space<hbm>>
    tpu.wait_dma2 semaphore(%arg20 : memref<!tpu.dma_semaphore, #tpu.memory_space<semaphore_mem>>) src(%dma_wait3A_315 : memref<128x128xf32, #tpu.memory_space<hbm>>) dst(%arg10 : memref<128x128xf32, #tpu.memory_space<vmem>>)
    %dma_wait3A_316 = arith.constant 0 : i32
    %dma_wait3A_317 = arith.constant 0 : i32
    %dma_wait3A_318 = arith.constant 0 : i32
    %dma_wait3A_319 = tpu.memref_slice %arg6[%arg1, %dma_wait3A_316, %dma_wait3A_317, %dma_wait3A_318] : memref<16x2x128x128xf32, #tpu.memory_space<vmem_shared>> -> memref<1x1x128x128xf32, #tpu.memory_space<vmem_shared>>
    %dma_wait3A_320 = tpu.memref_squeeze %dma_wait3A_319 : memref<1x1x128x128xf32, #tpu.memory_space<vmem_shared>> -> memref<128x128xf32, #tpu.memory_space<vmem_shared>>
    %dma_wait3A_321 = arith.constant 0 : i32
    %dma_wait3A_322 = arith.constant 0 : i32
    %dma_wait3A_323 = tpu.memref_slice %arg6[%arg1, %dma_wait3A_316, %dma_wait3A_321, %dma_wait3A_322] : memref<16x2x128x128xf32, #tpu.memory_space<vmem_shared>> -> memref<1x1x128x128xf32, #tpu.memory_space<vmem_shared>>
    %dma_wait3A_324 = tpu.memref_squeeze %dma_wait3A_323 : memref<1x1x128x128xf32, #tpu.memory_space<vmem_shared>> -> memref<128x128xf32, #tpu.memory_space<vmem_shared>>
    tpu.wait_dma2 semaphore(%arg13 : memref<!tpu.dma_semaphore, #tpu.memory_space<semaphore_mem>>) src(%arg9 : memref<128x128xf32, #tpu.memory_space<vmem>>) dst(%dma_wait3A_324 : memref<128x128xf32, #tpu.memory_space<vmem_shared>>)
    %add3A_325 = arith.constant 25344 : i32
    %add3A_326 = arith.addi %mul3A_2, %add3A_325 : i32
    %dma_start3A_327 = arith.constant 0 : i32
    %dma_start3A_328 = arith.constant 0 : i32
    %dma_start3A_329 = tpu.memref_slice %arg4[%add3A_326, %dma_start3A_328] : memref<819200x128xf32, #tpu.memory_space<hbm>> -> memref<128x128xf32, #tpu.memory_space<hbm>>
    %dma_start3A_330 = arith.constant 0 : i32
    %dma_start3A_331 = arith.constant 0 : i32
    %dma_start3A_332 = tpu.memref_slice %arg6[%arg1, %dma_start3A_327, %dma_start3A_330, %dma_start3A_331] : memref<16x2x128x128xf32, #tpu.memory_space<vmem_shared>> -> memref<1x1x128x128xf32, #tpu.memory_space<vmem_shared>>
    %dma_start3A_333 = tpu.memref_squeeze %dma_start3A_332 : memref<1x1x128x128xf32, #tpu.memory_space<vmem_shared>> -> memref<128x128xf32, #tpu.memory_space<vmem_shared>>
    tpu.enqueue_dma source(%dma_start3A_333 : memref<128x128xf32, #tpu.memory_space<vmem_shared>>) target(%dma_start3A_329 : memref<128x128xf32, #tpu.memory_space<hbm>>) target_semaphore(%arg15 : memref<!tpu.dma_semaphore, #tpu.memory_space<semaphore_mem>>)
    %dma_wait3A_334 = arith.constant 1 : i32
    %dma_wait3A_335 = arith.constant 0 : i32
    %dma_wait3A_336 = tpu.memref_slice %arg4[%mul3A_2, %dma_wait3A_335] : memref<819200x128xf32, #tpu.memory_space<hbm>> -> memref<128x128xf32, #tpu.memory_space<hbm>>
    %dma_wait3A_337 = arith.constant 0 : i32
    %dma_wait3A_338 = arith.constant 0 : i32
    %dma_wait3A_339 = tpu.memref_slice %arg6[%arg1, %dma_wait3A_334, %dma_wait3A_337, %dma_wait3A_338] : memref<16x2x128x128xf32, #tpu.memory_space<vmem_shared>> -> memref<1x1x128x128xf32, #tpu.memory_space<vmem_shared>>
    %dma_wait3A_340 = tpu.memref_squeeze %dma_wait3A_339 : memref<1x1x128x128xf32, #tpu.memory_space<vmem_shared>> -> memref<128x128xf32, #tpu.memory_space<vmem_shared>>
    tpu.wait_dma2 semaphore(%arg16 : memref<!tpu.dma_semaphore, #tpu.memory_space<semaphore_mem>>) src(%dma_wait3A_340 : memref<128x128xf32, #tpu.memory_space<vmem_shared>>) dst(%dma_wait3A_336 : memref<128x128xf32, #tpu.memory_space<hbm>>)
    %dma_start3A_341 = arith.constant 1 : i32
    %dma_start3A_342 = arith.constant 0 : i32
    %dma_start3A_343 = arith.constant 0 : i32
    %dma_start3A_344 = tpu.memref_slice %arg6[%arg1, %dma_start3A_341, %dma_start3A_342, %dma_start3A_343] : memref<16x2x128x128xf32, #tpu.memory_space<vmem_shared>> -> memref<1x1x128x128xf32, #tpu.memory_space<vmem_shared>>
    %dma_start3A_345 = tpu.memref_squeeze %dma_start3A_344 : memref<1x1x128x128xf32, #tpu.memory_space<vmem_shared>> -> memref<128x128xf32, #tpu.memory_space<vmem_shared>>
    %dma_start3A_346 = arith.constant 0 : i32
    %dma_start3A_347 = arith.constant 0 : i32
    %dma_start3A_348 = tpu.memref_slice %arg6[%arg1, %dma_start3A_341, %dma_start3A_346, %dma_start3A_347] : memref<16x2x128x128xf32, #tpu.memory_space<vmem_shared>> -> memref<1x1x128x128xf32, #tpu.memory_space<vmem_shared>>
    %dma_start3A_349 = tpu.memref_squeeze %dma_start3A_348 : memref<1x1x128x128xf32, #tpu.memory_space<vmem_shared>> -> memref<128x128xf32, #tpu.memory_space<vmem_shared>>
    tpu.enqueue_dma source(%arg10 : memref<128x128xf32, #tpu.memory_space<vmem>>) target(%dma_start3A_349 : memref<128x128xf32, #tpu.memory_space<vmem_shared>>) target_semaphore(%arg14 : memref<!tpu.dma_semaphore, #tpu.memory_space<semaphore_mem>>)
    %dma_wait3A_350 = arith.constant 0 : i32
    %dma_wait3A_351 = arith.constant 0 : i32
    %dma_wait3A_352 = arith.constant 0 : i32
    %dma_wait3A_353 = tpu.memref_slice %arg6[%arg1, %dma_wait3A_350, %dma_wait3A_351, %dma_wait3A_352] : memref<16x2x128x128xf32, #tpu.memory_space<vmem_shared>> -> memref<1x1x128x128xf32, #tpu.memory_space<vmem_shared>>
    %dma_wait3A_354 = tpu.memref_squeeze %dma_wait3A_353 : memref<1x1x128x128xf32, #tpu.memory_space<vmem_shared>> -> memref<128x128xf32, #tpu.memory_space<vmem_shared>>
    %dma_wait3A_355 = arith.constant 0 : i32
    %dma_wait3A_356 = arith.constant 0 : i32
    %dma_wait3A_357 = tpu.memref_slice %arg6[%arg1, %dma_wait3A_350, %dma_wait3A_355, %dma_wait3A_356] : memref<16x2x128x128xf32, #tpu.memory_space<vmem_shared>> -> memref<1x1x128x128xf32, #tpu.memory_space<vmem_shared>>
    %dma_wait3A_358 = tpu.memref_squeeze %dma_wait3A_357 : memref<1x1x128x128xf32, #tpu.memory_space<vmem_shared>> -> memref<128x128xf32, #tpu.memory_space<vmem_shared>>
    tpu.wait_dma2 semaphore(%arg14 : memref<!tpu.dma_semaphore, #tpu.memory_space<semaphore_mem>>) src(%arg10 : memref<128x128xf32, #tpu.memory_space<vmem>>) dst(%dma_wait3A_358 : memref<128x128xf32, #tpu.memory_space<vmem_shared>>)
    %add3A_359 = arith.constant 25472 : i32
    %add3A_360 = arith.addi %mul3A_2, %add3A_359 : i32
    %dma_start3A_361 = arith.constant 1 : i32
    %dma_start3A_362 = arith.constant 0 : i32
    %dma_start3A_363 = tpu.memref_slice %arg4[%add3A_360, %dma_start3A_362] : memref<819200x128xf32, #tpu.memory_space<hbm>> -> memref<128x128xf32, #tpu.memory_space<hbm>>
    %dma_start3A_364 = arith.constant 0 : i32
    %dma_start3A_365 = arith.constant 0 : i32
    %dma_start3A_366 = tpu.memref_slice %arg6[%arg1, %dma_start3A_361, %dma_start3A_364, %dma_start3A_365] : memref<16x2x128x128xf32, #tpu.memory_space<vmem_shared>> -> memref<1x1x128x128xf32, #tpu.memory_space<vmem_shared>>
    %dma_start3A_367 = tpu.memref_squeeze %dma_start3A_366 : memref<1x1x128x128xf32, #tpu.memory_space<vmem_shared>> -> memref<128x128xf32, #tpu.memory_space<vmem_shared>>
    tpu.enqueue_dma source(%dma_start3A_367 : memref<128x128xf32, #tpu.memory_space<vmem_shared>>) target(%dma_start3A_363 : memref<128x128xf32, #tpu.memory_space<hbm>>) target_semaphore(%arg16 : memref<!tpu.dma_semaphore, #tpu.memory_space<semaphore_mem>>)
    %dma_wait3A_368 = arith.constant 0 : i32
    %dma_wait3A_369 = arith.constant 0 : i32
    %dma_wait3A_370 = tpu.memref_slice %arg4[%mul3A_2, %dma_wait3A_369] : memref<819200x128xf32, #tpu.memory_space<hbm>> -> memref<128x128xf32, #tpu.memory_space<hbm>>
    %dma_wait3A_371 = arith.constant 0 : i32
    %dma_wait3A_372 = arith.constant 0 : i32
    %dma_wait3A_373 = tpu.memref_slice %arg6[%arg1, %dma_wait3A_368, %dma_wait3A_371, %dma_wait3A_372] : memref<16x2x128x128xf32, #tpu.memory_space<vmem_shared>> -> memref<1x1x128x128xf32, #tpu.memory_space<vmem_shared>>
    %dma_wait3A_374 = tpu.memref_squeeze %dma_wait3A_373 : memref<1x1x128x128xf32, #tpu.memory_space<vmem_shared>> -> memref<128x128xf32, #tpu.memory_space<vmem_shared>>
    tpu.wait_dma2 semaphore(%arg15 : memref<!tpu.dma_semaphore, #tpu.memory_space<semaphore_mem>>) src(%dma_wait3A_374 : memref<128x128xf32, #tpu.memory_space<vmem_shared>>) dst(%dma_wait3A_370 : memref<128x128xf32, #tpu.memory_space<hbm>>)
    %dma_wait3A_375 = arith.constant 1 : i32
    %dma_wait3A_376 = arith.constant 0 : i32
    %dma_wait3A_377 = tpu.memref_slice %arg4[%mul3A_2, %dma_wait3A_376] : memref<819200x128xf32, #tpu.memory_space<hbm>> -> memref<128x128xf32, #tpu.memory_space<hbm>>
    %dma_wait3A_378 = arith.constant 0 : i32
    %dma_wait3A_379 = arith.constant 0 : i32
    %dma_wait3A_380 = tpu.memref_slice %arg6[%arg1, %dma_wait3A_375, %dma_wait3A_378, %dma_wait3A_379] : memref<16x2x128x128xf32, #tpu.memory_space<vmem_shared>> -> memref<1x1x128x128xf32, #tpu.memory_space<vmem_shared>>
    %dma_wait3A_381 = tpu.memref_squeeze %dma_wait3A_380 : memref<1x1x128x128xf32, #tpu.memory_space<vmem_shared>> -> memref<128x128xf32, #tpu.memory_space<vmem_shared>>
    tpu.wait_dma2 semaphore(%arg16 : memref<!tpu.dma_semaphore, #tpu.memory_space<semaphore_mem>>) src(%dma_wait3A_381 : memref<128x128xf32, #tpu.memory_space<vmem_shared>>) dst(%dma_wait3A_377 : memref<128x128xf32, #tpu.memory_space<hbm>>)
    return
  }
}

</mosaic_0001>

<sc_bundles>
// kernel: _emb.3.cloned.1.call-start
scs
__scs_entry_jumppad:
0x0: {  	(pc) =	sbr.rel $0x88, $3  }
0x1: {  	(tag) =	ssettag $0x0;
	lr =	simm.s32 $0x1  }
0x2: {  	[smem:$0x3F9F] =	sst lr;
	_ =	strace $0xD0000000  }
0x3: {  	_ = 	snop  }
0x4: {  	_ = 	snop  }
0x5: {  	_ = 	snop  }
0x6: {  	_ = 	snop  }
0x7: {  	_ = 	snop  }
__scs_overlays_trampoline_lowered:
0x8: {  	[smem:$0x3FAE] =	sst s0  }
0x9: {  	[smem:$0x3FAF] =	sst s1  }
0xa: {  	[smem:$0x3FB0] =	sst s2  }
0xb: {  	[smem:$0x3FB1] =	sst s3  }
0xc: {  	[smem:$0x3FB2] =	sst s4  }
0xd: {  	[smem:$0x3FB3] =	sst s5  }
0xe: {  	[smem:$0x3FB4] =	sst s6  }
0xf: {  	[smem:$0x3FB5] =	sst s7  }
0x10: {  	[smem:$0x3FB6] =	sst s8  }
0x11: {  	[smem:$0x3FB7] =	sst s9;
	s0 =	simm.s32 @!p0 $0x0  }
0x12: {  	s1 =	sld [smem:$0x3F9D];
	s0 =	simm.s32 @p0 $0x1  }
0x13: {  	[smem:$0x3FB8] =	sst s0;
	s0 =	simm.s32 @!p1 $0x0  }
0x14: {  	s2 =	sld [smem:$0x3F9C];
	s0 =	simm.s32 @p1 $0x1  }
0x15: {  	[smem:$0x3FB9] =	sst s0;
	s0 =	simm.s32 @!p2 $0x0  }
0x16: {  	s3 =	sld [smem:$0x3FDB];
	s0 =	simm.s32 @p2 $0x1  }
0x17: {  	s4 =	simm.s32 $0x1BF5;
	[smem:$0x3FBB] =	sst s0  }
0x18: {  	s0 =	sld [smem:$0x3F9E];
	_ =	swait.ge [sflag:s4], $0x0  }
0x19: {  	s7 =	sld [smem:$0x3F9F]  }
0x1a: {  	s8 =	sadd.s32 $0xFFFFE003, lr  }
0x1b: {  	s9 =	sadd.s32 $0xFFFFFEF7, lr;
	s5 =	simm.s32 $0xFFFFFFFF;
	p2 =	slt.u32 s8, $0xFFFFF086  }
0x1c: {  	p1 =	slt.u32 s9, $0xF7A;
	s5 =	simm.s32 @!p2 $0x0  }
0x1d: {  	s5 =	simm.s32 @p1 $0x1;
	p0 =	seq.s32 s7, s2  }
0x1e: {  	s7 =	smul.u32 @!p0 $0xF7A, s2;
	p2 =	seq.s32 @!p0 s5, $0x0  }
0x1f: {  	s9 =	smul.u32 $0xF7A, s1;
	s8 =	simm.s32 @!p0 $0x1BF5;
	p2 =	por !p2, p0  }
0x20: {  	[sflag:s8] =	ssyncset.s32 @!p0 $0xFFFFF086;
	s6 =	sadd.s32 @!p0 s3, s7;
	s7 =	simm.s32 @!p0 $0x108  }
0x21: {  	s3 =	sadd.s32 s3, s9;
	s6 =	sadd.s32 @!p0 $0x88, s6;
	s7 =	simm.s32 @p2 $0x1082  }
0x22: {  	[simem:s7], [sflag:s8] =	dma.local @!p0 [hbm:s6], $0xF7A  }
0x23: {  	s9 =	sor.u32 $0xD0000000, s2;
	s6 =	simm.s32 $0x108;
	_ =	swait.ge @!p0 [sflag:s8], $0x0  }
0x24: {  	s3 =	sadd.s32 $0x88, s3;
	s6 =	simm.s32 @!p1 $0x1082;
	[sflag:s4] =	ssyncset.s32 $0xFFFFF086  }
0x25: {  	[simem:s6], [sflag:s4] =	dma.local [hbm:s3], $0xF7A  }
0x26: {  	[smem:$0x3F9F] =	sst s1;
	(tag) =	ssettag s2;
	_ =	strace s9  }
0x27: {  	s1 =	sld [smem:$0x3FAF]  }
0x28: {  	s2 =	sld [smem:$0x3FB0]  }
0x29: {  	s4 =	sld [smem:$0x3FB2]  }
0x2a: {  	p0 =	seq.s32 s5, $0x0;
	s5 =	sld [smem:$0x3FB3]  }
0x2b: {  	s6 =	sld [smem:$0x3FB4]  }
0x2c: {  	s7 =	sld [smem:$0x3FB5]  }
0x2d: {  	s3 =	simm.s32 $0x108;
	s8 =	sld [smem:$0x3FB6]  }
0x2e: {  	s3 =	simm.s32 @!p0 $0x1082;
	s9 =	sld [smem:$0x3FB7]  }
0x2f: {  	lr =	sadd.s32 s0, s3;
	s0 =	sld [smem:$0x3FAE]  }
0x30: {  	s3 =	sld [smem:$0x3FB1]  }
0x31: {  	[smem:$0x3FBA] =	sst s10  }
0x32: {  	s10 =	sld [smem:$0x3FB8];
	_ =	sdelay $0x3  }
0x33: {  	p0 =	seq.s32 s10, $0x1;
	s10 =	sld [smem:$0x3FBA];
	_ =	sdelay $0x3  }
0x34: {  	[smem:$0x3FBA] =	sst s10  }
0x35: {  	s10 =	sld [smem:$0x3FB9];
	_ =	sdelay $0x3  }
0x36: {  	p1 =	seq.s32 s10, $0x1;
	s10 =	sld [smem:$0x3FBA];
	_ =	sdelay $0x3  }
0x37: {  	[smem:$0x3FBA] =	sst s10  }
0x38: {  	s10 =	sld [smem:$0x3FBB]  }
0x39: {  	_ = 	snop;
	(pc) =	sbr.ind lr, $3  }
0x3a: {  	_ = 	snop  }
0x3b: {  	_ = 	snop  }
0x3c: {  	p2 =	seq.s32 s10, $0x1;
	s10 =	sld [smem:$0x3FBA]  }
0x3d: {  	_ =	shalt  }
0x3e: {  	_ =	shalt  }
0x3f: {  	_ =	shalt  }
0x40: {  	_ =	shalt  }
0x41: {  	_ =	shalt  }
0x42: {  	_ =	shalt  }
0x43: {  	_ =	shalt  }
0x44: {  	_ =	shalt  }
0x45: {  	_ =	shalt  }
0x46: {  	_ =	shalt  }
0x47: {  	_ =	shalt  }
0x48: {  	_ =	shalt  }
0x49: {  	_ =	shalt  }
0x4a: {  	_ =	shalt  }
0x4b: {  	_ =	shalt  }
0x4c: {  	_ =	shalt  }
0x4d: {  	_ =	shalt  }
0x4e: {  	_ =	shalt  }
0x4f: {  	_ =	shalt  }
0x50: {  	_ =	shalt  }
0x51: {  	_ =	shalt  }
0x52: {  	_ =	shalt  }
0x53: {  	_ =	shalt  }
0x54: {  	_ =	shalt  }
0x55: {  	_ =	shalt  }
0x56: {  	_ =	shalt  }
0x57: {  	_ =	shalt  }
0x58: {  	_ =	shalt  }
0x59: {  	_ =	shalt  }
0x5a: {  	_ =	shalt  }
0x5b: {  	_ =	shalt  }
0x5c: {  	_ =	shalt  }
0x5d: {  	_ =	shalt  }
0x5e: {  	_ =	shalt  }
0x5f: {  	_ =	shalt  }
0x60: {  	_ =	shalt  }
0x61: {  	_ =	shalt  }
0x62: {  	_ =	shalt  }
0x63: {  	_ =	shalt  }
0x64: {  	_ =	shalt  }
0x65: {  	_ =	shalt  }
0x66: {  	_ =	shalt  }
0x67: {  	_ =	shalt  }
0x68: {  	_ =	shalt  }
0x69: {  	_ =	shalt  }
0x6a: {  	_ =	shalt  }
0x6b: {  	_ =	shalt  }
0x6c: {  	_ =	shalt  }
0x6d: {  	_ =	shalt  }
0x6e: {  	_ =	shalt  }
0x6f: {  	_ =	shalt  }
0x70: {  	_ =	shalt  }
0x71: {  	_ =	shalt  }
0x72: {  	_ =	shalt  }
0x73: {  	_ =	shalt  }
0x74: {  	_ =	shalt  }
0x75: {  	_ =	shalt  }
0x76: {  	_ =	shalt  }
0x77: {  	_ =	shalt  }
0x78: {  	_ =	shalt  }
0x79: {  	_ =	shalt  }
0x7a: {  	_ =	shalt  }
0x7b: {  	_ =	shalt  }
0x7c: {  	_ =	shalt  }
0x7d: {  	_ =	shalt  }
0x7e: {  	_ =	shalt  }
0x7f: {  	_ =	shalt  }
0x80: {  	_ =	shalt  }
0x81: {  	_ =	shalt  }
0x82: {  	_ =	shalt  }
0x83: {  	_ =	shalt  }
0x84: {  	_ =	shalt  }
0x85: {  	_ =	shalt  }
0x86: {  	_ =	shalt  }
0x87: {  	_ =	shalt  }
.Lfunc_end0:
.L_simem_size_0:
called_computation_lowered:
.L_overlay_start_0:
0x88: {  	s2 =	sld [smem:$0x3FD9]  }
0x89: {  	s3 =	sld [smem:$0x3FFE];
	_ =	sdelay $0x1  }
0x8a: {  	s1 =	srdreg.scid  }
0x8b: {  	s0 =	sand.u32 $0x1, s1  }
0x8c: {  	s18 =	sshll.u32 s0, $0xA;
	s2 =	sadd.s32 s3, s2  }
0x8d: {  	s2 =	sadd.s32 s2, s18  }
0x8e: {  	[smem:$0x3FC6] =	sst s2  }
0x8f: {  	_ = 	snop  }
0x90: {  	s2 =	sld [smem:$0x3FC9]  }
0x91: {  	s19 =	sld [smem:$0x3FC8]  }
0x92: {  	s4 =	sld [smem:$0x3FD0];
	(tm) =	ssettm $0x1  }
0x93: {  	s5 =	sld [smem:$0x3FFB];
	_ =	sdelay $0x3  }
0x94: {  	_ =	strace s5  }
0x95: {  	s5 =	sld [smem:$0x3FFC];
	_ =	sdelay $0x3  }
0x96: {  	_ =	strace s5  }
0x97: {  	s5 =	sld [smem:$0x3FFD];
	_ =	sdelay $0x3  }
0x98: {  	_ =	strace s5  }
0x99: {  	_ =	strace $0x8FFFFFFF  }
0x9a: {  	s20 =	sld [smem:$0x3FDB];
	_ =	sdelay $0x1  }
0x9b: {  	s6 =	simm.s32 $_scs_section_size  }
0x9c: {  	s7 =	simm.s32 $_size__tile_overlayer_lowered;
	s8 =	simm.s32 $_tile_overlayer_lowered  }
0x9d: {  	s23 =	simm.s32 $0x1BFF;
	s22 =	sshll.u32 s8, $0x1;
	s5 =	sadd.s32 s6, s20  }
0x9e: {  	s9 =	simm.s32 $0x0;
	s21 =	sshll.u32 s7, $0x1;
	s7 =	sadd.s32 s22, s5  }
0x9f: {  	[timem:s9], [sflag:s23] =	dma.local [hbm:s7], s21  }
0xa0: {  	_ =	swait.ge [sflag:s23], s21  }
0xa1: {  	s6 =	ssub.s32 $0x0, s21;
	[sflag:s23] =	ssyncset.done $0x0  }
0xa2: {  	[sflag:s23] =	ssyncadd.s32 s6;
	_ =	sdelay $0x1  }
0xa3: {  	s24 =	simm.s32 $0x1B8B  }
0xa4: {  	_ =	swait.ge [sflag:s24], $0x1  }
0xa5: {  	[sflag:s24] =	ssyncset.done $0x0  }
0xa6: {  	s25 =	simm.s32 $0x1B8E;
	[sflag:s24] =	ssyncadd.s32 $0xFFFFFFFF  }
0xa7: {  	s26 =	simm.s32 $execute0_lowered;
	[smem:$0x3FD2] =	sst s25  }
0xa8: {  	s6 =	sshll.u32 s26, $0x1;
	_ =	strace $0x80000046;
	[dreg:$0x1] =	wrdreg $0xFFFFFFFF  }
0xa9: {  	s28 =	simm.s32 $_size_execute0_lowered;
	s5 =	sadd.s32 s5, s6;
	[dreg:$0x0] =	wrdreg $0x0  }
0xaa: {  	s6 =	sshll.u32 s28, $0x1;
	[dreg:$0x2] =	wrdreg s5  }
0xab: {  	[dreg:$0x3] =	wrdreg s6  }
0xac: {  	[dreg:$0x4] =	wrdreg $0xC0  }
0xad: {  	_ =	task [dreg:s9], $0x5FFFF  }
0xae: {  	[dreg:$0x1] =	wrdreg $0xFFFFFFFF  }
0xaf: {  	[dreg:$0x0] =	wrdreg $0x60  }
0xb0: {  	[dreg:$0x2] =	wrdreg s2  }
0xb1: {  	[dreg:$0x3] =	wrdreg s19  }
0xb2: {  	[dreg:$0x4] =	wrdreg s4  }
0xb3: {  	[dreg:$0x5] =	wrdreg $0x64000  }
0xb4: {  	[dreg:$0x6] =	wrdreg $0x9  }
0xb5: {  	_ =	task.clear_ibuf [dreg:s9], $0x7FFFF;
	_ =	strace $0x90000046  }
0xb6: {  	s29 =	simm.s32 $0x9;
	_ =	strace $0x80000048  }
0xb7: {  	_ =	swait.ge [sflag:s29], $0x1  }
0xb8: {  	[sflag:s29] =	ssyncadd.s32 $0xFFFFFFFF  }
0xb9: {  	_ =	strace $0x90000048  }
0xba: {  	_ =	sfence  }
0xbb: {  	s30 =	sld [smem:$0x0];
	_ =	sdelay $0x2  }
0xbc: {  	s31 =	sshll.u32 s1, $0xD;
	s1 =	sshrl.u32 s1, $0x2  }
0xbd: {  	s3 =	sand.u32 $0x4000, s31;
	s1 =	sadd.s32 s1, s30  }
0xbe: {  	s0 =	sor.u32 s3, s0;
	s1 =	sshll.u32 s1, $0x11  }
0xbf: {  	s0 =	sor.u32 s1, s0  }
0xc0: {  	s0 =	sadd.s32 $0x8F2B, s0  }
0xc1: {  	[sflag:s0] =	ssyncadd.remote.s32 $0x1  }
0xc2: {  	_ =	sfence.sel $0xFFFF  }
0xc3: {  	[dreg:$0x0] =	wrdreg $0xFFFFFFFF;
	(pc) =	sbr.abs _section_cstart, $3  }
0xc4: {  	[dreg:$0x1] =	wrdreg $0xFFFFFFFF  }
0xc5: {  	_ =	task.clear_ibuf [dreg:s9], $0x2FFFF;
	_ =	strace $0x9FFFFFFF  }
0xc6: {  	(tm) =	ssettm $0x7FFFFFFF  }
0xc7: {  	_ =	shalt  }
tec
execute0_lowered:
.L_overlay_start_1:
0x0: {  	(tag) =	ssettag $0x1  }
0x1: {  	s0 =	rddreg [dreg:$0x0]  }
0x2: {  	s1 =	rddreg [dreg:$0x1]  }
0x3: {  	s2 =	rddreg [dreg:$0x2];
	s3 =	srdreg.scid  }
0x4: {  	s10 =	stileid.u32;
	s4 =	rddreg [dreg:$0x3]  }
0x5: {  	s6 =	simm.s32 $0x0;
	s29 =	simm.s32 $0x9;
	s16 =	smul.u32 $0x640000, s10  }
0x6: {  	s30 =	simm.s32 $0x2;
	s3 =	sand.u32 $0x1, s3;
	s23 =	smul.u32 $0xC8000, s10  }
0x7: {  	s31 =	simm.s32 $0x5;
	s5 =	sshll.u32 s10, $0x1;
	s18 =	smul.u32 $0x320000, s3  }
0x8: {  	s5 =	sor.u32 s3, s5;
	s12 =	ssub.s32 $0x2, s3;
	s3 =	smul.u32 $0x64000, s3  }
0x9: {  	s28 =	simm.s32 $0x0;
	[smem:$0x7FF] =	sst s6;
	s7 =	smul.u32 $0x6400, s5  }
0xa: {  	s15 =	sshll.u32 s10, $0xF;
	_ =	strace $0x80000047;
	s14 =	smul.u32 $0x64000, s5  }
0xb: {  	s8 =	sshrl.u32 s12, $0x1;
	s9 =	smul.u32 $0x320000, s5;
	s5 =	sadd.s32 s15, s4  }
0xc: {  	s8 =	ssub.s32 s12, s8;
	s13 =	sshrl.u32 s7, $0x3;
	s6 =	sadd.s32 s2, s14  }
0xd: {  	s7 =	sadd.s32 $0x4000, s5;
	s17 =	sshrl.u32 s9, $0x3;
	s25 =	smax.u32 s8, $0x1  }
0xe: {  	s0 =	sadd.s32 s0, s13;
	s11 =	sadd.s32 $0x800, s6;
	[dreg:$0xf] =	wrdreg s25  }
0xf: {  	s19 =	sadd.s32 $0x1000, s6;
	s4 =	sadd.s32 s2, s17;
	[dreg:$0x7] =	wrdreg s0  }
0x10: {  	s17 =	simm.s32 $0x80;
	s25 =	simm.s32 $0x8;
	[dreg:$0x8] =	wrdreg s11  }
0x11: {  	[dreg:$0x9] =	wrdreg s19;
	s20 =	sadd.s32 $0x61800, s4;
	s21 =	sadd.s32 $0x62000, s4  }
0x12: {  	s0 =	sadd.s32 s18, s16;
	s22 =	sadd.s32 $0x62800, s4;
	[dreg:$0xa] =	wrdreg s20  }
0x13: {  	s24 =	sadd.s32 $0x63000, s4;
	s4 =	sadd.s32 $0x63800, s4;
	[dreg:$0xb] =	wrdreg s21  }
0x14: {  	s16 =	simm.s32 $0xB;
	s18 =	simm.s32 $0xE400;
	[dreg:$0xc] =	wrdreg s22  }
0x15: {  	s19 =	simm.s32 $0x12400;
	s0 =	sor.u32 $0x10000, s0;
	[dreg:$0xd] =	wrdreg s24  }
0x16: {  	[dreg:$0xe] =	wrdreg s4;
	s21 =	simm.s32 $0x16400;
	s22 =	simm.s32 $0x7  }
0x17: {  	s24 =	simm.s32 $0x1A400;
	s20 =	simm.s32 $0xA;
	s0 =	sshrl.u32 s0, $0x3  }
0x18: {  	s0 =	sadd.s32 s0, s2;
	s2 =	sadd.s32 s23, s2;
	s23 =	simm.s32 $0x6  }
0x19: {  	[dreg:$0x5] =	wrdreg s0;
	s26 =	sadd.s32 s3, s2;
	s0 =	simm.s32 $0x3  }
0x1a: {  	s2 =	simm.s32 $0x4;
	[dreg:$0x6] =	wrdreg s26;
	s26 =	simm.s32 $0x1  }
.LBB2_1:
0x1b: {  	s3 =	simm.s32 $0x0;
	s4 =	rddreg [dreg:$0x7]  }
0x1c: {  	[tilespmem:s3], [sflag:$0xB] =	stream.linear.gather [hbm4b:s4+s3], $0x6400, $0x38;
	[tilespmem:$0x1E400] =	vst v63  }
0x1d: {  	_ =	swait.ge [sflag:s16], $0x6400  }
0x1e: {  	[sflag:s16] =	ssyncset.done $0x0  }
0x1f: {  	[sflag:s16] =	ssyncadd.s32 $0xFFFF9C00  }
0x20: {  	[tilespmem:s18], [sflag:$0x7] =	stream.indirect.gather [hbm4b:s1+s17], $0x80, s3, s17, $0xb8;
	[tilespmem:$0x1E400] =	vst v63  }
0x21: {  	_ = 	snop  }
0x22: {  	[tilespmem:s19], [sflag:$0x8] =	stream.indirect.gather [hbm4b:s1+s17], $0x80, s17, s17, $0xb8;
	[tilespmem:$0x1E400] =	vst v63  }
0x23: {  	s8 =	simm.s32 $0x100  }
0x24: {  	[tilespmem:s21], [sflag:$0x9] =	stream.indirect.gather [hbm4b:s1+s17], $0x80, s8, s17, $0xb8;
	[tilespmem:$0x1E400] =	vst v63  }
0x25: {  	_ =	swait.ge [sflag:s22], $0x4000  }
0x26: {  	[sflag:s22] =	ssyncset.done $0x0  }
0x27: {  	[sflag:s22] =	ssyncadd.s32 $0xFFFFC000  }
0x28: {  	[spmem:s5] =	stream.linear.scatter [tilespmem:s18], [sflag:$0x1], $0x4000, $0x38;
	[tilespmem:$0x1E400] =	vst v63  }
0x29: {  	s9 =	simm.s32 $0x180  }
0x2a: {  	[tilespmem:s24], [sflag:$0xA] =	stream.indirect.gather [hbm4b:s1+s17], $0x80, s9, s17, $0xb8;
	[tilespmem:$0x1E400] =	vst v63  }
0x2b: {  	_ =	swait.ge [sflag:s25], $0x4000  }
0x2c: {  	[sflag:s25] =	ssyncset.done $0x0  }
0x2d: {  	[sflag:s25] =	ssyncadd.s32 $0xFFFFC000  }
0x2e: {  	s10 =	stileid.u32;
	_ =	swait.ge [sflag:s26], $0x4000  }
0x2f: {  	s8 =	sshll.u32 s10, $0x6;
	[sflag:s26] =	ssyncset.done $0x0  }
0x30: {  	s4 =	sshrl.u32 s5, $0x3;
	s3 =	sor.u32 $0x1C05, s8;
	[sflag:s26] =	ssyncadd.s32 $0xFFFFC000  }
0x31: {  	[hbm:s6], [sflag:s3] =	dma.local [spmem:s4], $0x800  }
0x32: {  	[spmem:s7] =	stream.linear.scatter [tilespmem:s19], [sflag:$0x2], $0x4000, $0x38;
	[tilespmem:$0x1E400] =	vst v63  }
0x33: {  	s9 =	simm.s32 $0x200  }
0x34: {  	[tilespmem:s18], [sflag:$0x7] =	stream.indirect.gather [hbm4b:s1+s17], $0x80, s9, s17, $0xb8;
	[tilespmem:$0x1E400] =	vst v63  }
0x35: {  	_ =	swait.ge [sflag:s29], $0x4000  }
0x36: {  	[sflag:s29] =	ssyncset.done $0x0  }
0x37: {  	[sflag:s29] =	ssyncadd.s32 $0xFFFFC000  }
0x38: {  	_ =	swait.ge [sflag:s30], $0x4000  }
0x39: {  	s8 =	sor.u32 $0x1C06, s8;
	[sflag:s30] =	ssyncset.done $0x0  }
0x3a: {  	s9 =	sshrl.u32 s7, $0x3;
	s10 =	rddreg [dreg:$0x8];
	[sflag:s30] =	ssyncadd.s32 $0xFFFFC000  }
0x3b: {  	[hbm:s10], [sflag:s8] =	dma.local [spmem:s9], $0x800  }
0x3c: {  	_ =	swait.ge [sflag:s31], $0x800  }
0x3d: {  	[sflag:s31] =	ssyncset.done $0x0  }
0x3e: {  	[sflag:s31] =	ssyncadd.s32 $0xFFFFF800  }
0x3f: {  	[spmem:s5] =	stream.linear.scatter [tilespmem:s21], [sflag:$0x3], $0x4000, $0x38;
	[tilespmem:$0x1E400] =	vst v63  }
0x40: {  	s11 =	simm.s32 $0x280  }
0x41: {  	[tilespmem:s19], [sflag:$0x8] =	stream.indirect.gather [hbm4b:s1+s17], $0x80, s11, s17, $0xb8;
	[tilespmem:$0x1E400] =	vst v63  }
0x42: {  	_ =	swait.ge [sflag:s20], $0x4000  }
0x43: {  	[sflag:s20] =	ssyncset.done $0x0  }
0x44: {  	[sflag:s20] =	ssyncadd.s32 $0xFFFFC000  }
0x45: {  	_ =	swait.ge [sflag:s0], $0x4000  }
0x46: {  	[sflag:s0] =	ssyncset.done $0x0  }
0x47: {  	s12 =	rddreg [dreg:$0x9];
	[sflag:s0] =	ssyncadd.s32 $0xFFFFC000  }
0x48: {  	[hbm:s12], [sflag:s3] =	dma.local [spmem:s4], $0x800  }
0x49: {  	_ =	swait.ge [sflag:s23], $0x800  }
0x4a: {  	[sflag:s23] =	ssyncset.done $0x0  }
0x4b: {  	[sflag:s23] =	ssyncadd.s32 $0xFFFFF800  }
0x4c: {  	[spmem:s7] =	stream.linear.scatter [tilespmem:s24], [sflag:$0x4], $0x4000, $0x38;
	[tilespmem:$0x1E400] =	vst v63  }
0x4d: {  	s13 =	simm.s32 $0x300  }
0x4e: {  	[tilespmem:s21], [sflag:$0x9] =	stream.indirect.gather [hbm4b:s1+s17], $0x80, s13, s17, $0xb8;
	[tilespmem:$0x1E400] =	vst v63  }
0x4f: {  	_ =	swait.ge [sflag:s22], $0x4000  }
0x50: {  	[sflag:s22] =	ssyncset.done $0x0  }
0x51: {  	[sflag:s22] =	ssyncadd.s32 $0xFFFFC000  }
0x52: {  	_ =	swait.ge [sflag:s2], $0x4000  }
0x53: {  	s14 =	rddreg [dreg:$0x6]  }
0x54: {  	[sflag:s2] =	ssyncset.done $0x0;
	s10 =	sadd.s32 $0x0, s14  }
0x55: {  	[sflag:s2] =	ssyncadd.s32 $0xFFFFC000;
	s11 =	sadd.s32 $0x1800, s10  }
0x56: {  	[hbm:s11], [sflag:s8] =	dma.local [spmem:s9], $0x800  }
0x57: {  	_ =	swait.ge [sflag:s31], $0x800  }
0x58: {  	[sflag:s31] =	ssyncset.done $0x0  }
0x59: {  	[sflag:s31] =	ssyncadd.s32 $0xFFFFF800  }
0x5a: {  	[spmem:s5] =	stream.linear.scatter [tilespmem:s18], [sflag:$0x1], $0x4000, $0x38;
	[tilespmem:$0x1E400] =	vst v63  }
0x5b: {  	s15 =	simm.s32 $0x380  }
0x5c: {  	[tilespmem:s24], [sflag:$0xA] =	stream.indirect.gather [hbm4b:s1+s17], $0x80, s15, s17, $0xb8;
	[tilespmem:$0x1E400] =	vst v63  }
0x5d: {  	_ =	swait.ge [sflag:s25], $0x4000  }
0x5e: {  	[sflag:s25] =	ssyncset.done $0x0  }
0x5f: {  	[sflag:s25] =	ssyncadd.s32 $0xFFFFC000  }
0x60: {  	_ =	swait.ge [sflag:s26], $0x4000  }
0x61: {  	s12 =	rddreg [dreg:$0x5];
	[sflag:s26] =	ssyncset.done $0x0  }
0x62: {  	[sflag:s26] =	ssyncadd.s32 $0xFFFFC000;
	s11 =	sadd.s32 $0x0, s12  }
0x63: {  	[hbm:s11], [sflag:s3] =	dma.local [spmem:s4], $0x800  }
0x64: {  	_ =	swait.ge [sflag:s23], $0x800  }
0x65: {  	[sflag:s23] =	ssyncset.done $0x0  }
0x66: {  	[sflag:s23] =	ssyncadd.s32 $0xFFFFF800  }
0x67: {  	[spmem:s7] =	stream.linear.scatter [tilespmem:s19], [sflag:$0x2], $0x4000, $0x38;
	[tilespmem:$0x1E400] =	vst v63  }
0x68: {  	s13 =	simm.s32 $0x400  }
0x69: {  	[tilespmem:s18], [sflag:$0x7] =	stream.indirect.gather [hbm4b:s1+s17], $0x80, s13, s17, $0xb8;
	[tilespmem:$0x1E400] =	vst v63  }
0x6a: {  	_ =	swait.ge [sflag:s29], $0x4000  }
0x6b: {  	[sflag:s29] =	ssyncset.done $0x0  }
0x6c: {  	[sflag:s29] =	ssyncadd.s32 $0xFFFFC000  }
0x6d: {  	_ =	swait.ge [sflag:s30], $0x4000  }
0x6e: {  	[sflag:s30] =	ssyncset.done $0x0  }
0x6f: {  	s14 =	sadd.s32 $0x2800, s10;
	[sflag:s30] =	ssyncadd.s32 $0xFFFFC000  }
0x70: {  	[hbm:s14], [sflag:s8] =	dma.local [spmem:s9], $0x800  }
0x71: {  	_ =	swait.ge [sflag:s31], $0x800  }
0x72: {  	[sflag:s31] =	ssyncset.done $0x0  }
0x73: {  	[sflag:s31] =	ssyncadd.s32 $0xFFFFF800  }
0x74: {  	[spmem:s5] =	stream.linear.scatter [tilespmem:s21], [sflag:$0x3], $0x4000, $0x38;
	[tilespmem:$0x1E400] =	vst v63  }
0x75: {  	s15 =	simm.s32 $0x480  }
0x76: {  	[tilespmem:s19], [sflag:$0x8] =	stream.indirect.gather [hbm4b:s1+s17], $0x80, s15, s17, $0xb8;
	[tilespmem:$0x1E400] =	vst v63  }
0x77: {  	_ =	swait.ge [sflag:s20], $0x4000  }
0x78: {  	[sflag:s20] =	ssyncset.done $0x0  }
0x79: {  	[sflag:s20] =	ssyncadd.s32 $0xFFFFC000  }
0x7a: {  	_ =	swait.ge [sflag:s0], $0x4000  }
0x7b: {  	[sflag:s0] =	ssyncset.done $0x0  }
0x7c: {  	s10 =	sadd.s32 $0x3000, s10;
	[sflag:s0] =	ssyncadd.s32 $0xFFFFC000  }
0x7d: {  	[hbm:s10], [sflag:s3] =	dma.local [spmem:s4], $0x800  }
0x7e: {  	_ =	swait.ge [sflag:s23], $0x800  }
0x7f: {  	s12 =	simm.s32 $0x700;
	[sflag:s23] =	ssyncset.done $0x0  }
0x80: {  	s11 =	simm.s32 $0x2000;
	s10 =	simm.s32 $0x500;
	[sflag:s23] =	ssyncadd.s32 $0xFFFFF800  }
0x81: {  	[spmem:s7] =	stream.linear.scatter [tilespmem:s24], [sflag:$0x4], $0x4000, $0x38;
	[tilespmem:$0x1E400] =	vst v63  }
.LBB2_2:
0x82: {  	[tilespmem:s21], [sflag:$0x9] =	stream.indirect.gather [hbm4b:s1+s17], $0x80, s10, s17, $0xb8;
	[tilespmem:$0x1E400] =	vst v63  }
0x83: {  	_ =	swait.ge [sflag:s22], $0x4000  }
0x84: {  	[sflag:s22] =	ssyncset.done $0x0  }
0x85: {  	[sflag:s22] =	ssyncadd.s32 $0xFFFFC000  }
0x86: {  	_ =	swait.ge [sflag:s2], $0x4000  }
0x87: {  	s14 =	smov.u32 s11;
	s13 =	rddreg [dreg:$0x6]  }
0x88: {  	[sflag:s2] =	ssyncset.done $0x0;
	s13 =	sadd.s32 s14, s13  }
0x89: {  	[sflag:s2] =	ssyncadd.s32 $0xFFFFC000;
	s15 =	sadd.s32 $0x1800, s13  }
0x8a: {  	[hbm:s15], [sflag:s8] =	dma.local [spmem:s9], $0x800  }
0x8b: {  	_ =	swait.ge [sflag:s31], $0x800  }
0x8c: {  	[sflag:s31] =	ssyncset.done $0x0  }
0x8d: {  	[sflag:s31] =	ssyncadd.s32 $0xFFFFF800  }
0x8e: {  	[spmem:s5] =	stream.linear.scatter [tilespmem:s18], [sflag:$0x1], $0x4000, $0x38;
	[tilespmem:$0x1E400] =	vst v63  }
0x8f: {  	s15 =	sadd.s32 $0xFFFFFE80, s12  }
0x90: {  	[tilespmem:s24], [sflag:$0xA] =	stream.indirect.gather [hbm4b:s1+s17], $0x80, s15, s17, $0xb8;
	[tilespmem:$0x1E400] =	vst v63  }
0x91: {  	_ =	swait.ge [sflag:s25], $0x4000  }
0x92: {  	[sflag:s25] =	ssyncset.done $0x0  }
0x93: {  	[sflag:s25] =	ssyncadd.s32 $0xFFFFC000  }
0x94: {  	_ =	swait.ge [sflag:s26], $0x4000  }
0x95: {  	[sflag:s26] =	ssyncset.done $0x0;
	s15 =	rddreg [dreg:$0x5]  }
0x96: {  	[sflag:s26] =	ssyncadd.s32 $0xFFFFC000;
	s14 =	sadd.s32 s14, s15  }
0x97: {  	[hbm:s14], [sflag:s3] =	dma.local [spmem:s4], $0x800  }
0x98: {  	_ =	swait.ge [sflag:s23], $0x800  }
0x99: {  	[sflag:s23] =	ssyncset.done $0x0  }
0x9a: {  	[sflag:s23] =	ssyncadd.s32 $0xFFFFF800  }
0x9b: {  	[spmem:s7] =	stream.linear.scatter [tilespmem:s19], [sflag:$0x2], $0x4000, $0x38;
	[tilespmem:$0x1E400] =	vst v63  }
0x9c: {  	s15 =	sadd.s32 $0xFFFFFF00, s12  }
0x9d: {  	[tilespmem:s18], [sflag:$0x7] =	stream.indirect.gather [hbm4b:s1+s17], $0x80, s15, s17, $0xb8;
	[tilespmem:$0x1E400] =	vst v63  }
0x9e: {  	_ =	swait.ge [sflag:s29], $0x4000  }
0x9f: {  	[sflag:s29] =	ssyncset.done $0x0  }
0xa0: {  	[sflag:s29] =	ssyncadd.s32 $0xFFFFC000  }
0xa1: {  	_ =	swait.ge [sflag:s30], $0x4000  }
0xa2: {  	[sflag:s30] =	ssyncset.done $0x0  }
0xa3: {  	s15 =	sadd.s32 $0x2800, s13;
	[sflag:s30] =	ssyncadd.s32 $0xFFFFC000  }
0xa4: {  	[hbm:s15], [sflag:s8] =	dma.local [spmem:s9], $0x800  }
0xa5: {  	_ =	swait.ge [sflag:s31], $0x800  }
0xa6: {  	[sflag:s31] =	ssyncset.done $0x0  }
0xa7: {  	[sflag:s31] =	ssyncadd.s32 $0xFFFFF800  }
0xa8: {  	[spmem:s5] =	stream.linear.scatter [tilespmem:s21], [sflag:$0x3], $0x4000, $0x38;
	[tilespmem:$0x1E400] =	vst v63  }
0xa9: {  	s15 =	sadd.s32 $0xFFFFFF80, s12  }
0xaa: {  	[tilespmem:s19], [sflag:$0x8] =	stream.indirect.gather [hbm4b:s1+s17], $0x80, s15, s17, $0xb8;
	[tilespmem:$0x1E400] =	vst v63  }
0xab: {  	_ =	swait.ge [sflag:s20], $0x4000  }
0xac: {  	[sflag:s20] =	ssyncset.done $0x0  }
0xad: {  	[sflag:s20] =	ssyncadd.s32 $0xFFFFC000  }
0xae: {  	_ =	swait.ge [sflag:s0], $0x4000  }
0xaf: {  	[sflag:s0] =	ssyncset.done $0x0  }
0xb0: {  	p0 =	sne.s32 s11, $0x5E000;
	s13 =	sadd.s32 $0x3000, s13;
	[sflag:s0] =	ssyncadd.s32 $0xFFFFC000  }
0xb1: {  	[hbm:s13], [sflag:s3] =	dma.local [spmem:s4], $0x800  }
.Ltmp0:
0xb2: {  	_ = 	snop;
	(pc) =	sbr.rel @p0 .LBB2_2-.Ltmp0, $4  }
0xb3: {  	_ =	swait.ge [sflag:s23], $0x800  }
0xb4: {  	s10 =	smov.u32 s12;
	[sflag:s23] =	ssyncset.done $0x0  }
0xb5: {  	s11 =	sadd.s32 $0x2000, s11;
	s12 =	sadd.s32 $0x200, s12;
	[sflag:s23] =	ssyncadd.s32 $0xFFFFF800  }
0xb6: {  	[spmem:s7] =	stream.linear.scatter [tilespmem:s24], [sflag:$0x4], $0x4000, $0x38;
	[tilespmem:$0x1E400] =	vst v63  }
0xb7: {  	[tilespmem:s21], [sflag:$0x9] =	stream.indirect.gather [hbm4b:s1+s17], $0x80, s10, s17, $0xb8;
	[tilespmem:$0x1E400] =	vst v63  }
0xb8: {  	_ =	swait.ge [sflag:s22], $0x4000  }
0xb9: {  	[sflag:s22] =	ssyncset.done $0x0  }
0xba: {  	[sflag:s22] =	ssyncadd.s32 $0xFFFFC000  }
0xbb: {  	_ =	swait.ge [sflag:s2], $0x4000  }
0xbc: {  	[sflag:s2] =	ssyncset.done $0x0  }
0xbd: {  	s14 =	rddreg [dreg:$0xa];
	[sflag:s2] =	ssyncadd.s32 $0xFFFFC000  }
0xbe: {  	[hbm:s14], [sflag:s8] =	dma.local [spmem:s9], $0x800  }
0xbf: {  	_ =	swait.ge [sflag:s31], $0x800  }
0xc0: {  	[sflag:s31] =	ssyncset.done $0x0  }
0xc1: {  	[sflag:s31] =	ssyncadd.s32 $0xFFFFF800  }
0xc2: {  	[spmem:s5] =	stream.linear.scatter [tilespmem:s18], [sflag:$0x1], $0x4000, $0x38;
	[tilespmem:$0x1E400] =	vst v63  }
0xc3: {  	s15 =	simm.s32 $0x6380  }
0xc4: {  	[tilespmem:s24], [sflag:$0xA] =	stream.indirect.gather [hbm4b:s1+s17], $0x80, s15, s17, $0xb8;
	[tilespmem:$0x1E400] =	vst v63  }
0xc5: {  	_ =	swait.ge [sflag:s25], $0x4000  }
0xc6: {  	[sflag:s25] =	ssyncset.done $0x0  }
0xc7: {  	[sflag:s25] =	ssyncadd.s32 $0xFFFFC000  }
0xc8: {  	_ =	swait.ge [sflag:s26], $0x4000  }
0xc9: {  	[sflag:s26] =	ssyncset.done $0x0  }
0xca: {  	s11 =	rddreg [dreg:$0xb];
	[sflag:s26] =	ssyncadd.s32 $0xFFFFC000  }
0xcb: {  	[hbm:s11], [sflag:s3] =	dma.local [spmem:s4], $0x800  }
0xcc: {  	_ =	swait.ge [sflag:s23], $0x800  }
0xcd: {  	[sflag:s23] =	ssyncset.done $0x0  }
0xce: {  	[sflag:s23] =	ssyncadd.s32 $0xFFFFF800  }
0xcf: {  	[spmem:s7] =	stream.linear.scatter [tilespmem:s19], [sflag:$0x2], $0x4000, $0x38;
	[tilespmem:$0x1E400] =	vst v63  }
0xd0: {  	_ =	swait.ge [sflag:s29], $0x4000  }
0xd1: {  	[sflag:s29] =	ssyncset.done $0x0  }
0xd2: {  	[sflag:s29] =	ssyncadd.s32 $0xFFFFC000  }
0xd3: {  	_ =	swait.ge [sflag:s30], $0x4000  }
0xd4: {  	[sflag:s30] =	ssyncset.done $0x0  }
0xd5: {  	s12 =	rddreg [dreg:$0xc];
	[sflag:s30] =	ssyncadd.s32 $0xFFFFC000  }
0xd6: {  	[hbm:s12], [sflag:s8] =	dma.local [spmem:s9], $0x800  }
0xd7: {  	_ =	swait.ge [sflag:s31], $0x800  }
0xd8: {  	[sflag:s31] =	ssyncset.done $0x0  }
0xd9: {  	[sflag:s31] =	ssyncadd.s32 $0xFFFFF800  }
0xda: {  	[spmem:s5] =	stream.linear.scatter [tilespmem:s21], [sflag:$0x3], $0x4000, $0x38;
	[tilespmem:$0x1E400] =	vst v63  }
0xdb: {  	_ =	swait.ge [sflag:s20], $0x4000  }
0xdc: {  	[sflag:s20] =	ssyncset.done $0x0  }
0xdd: {  	[sflag:s20] =	ssyncadd.s32 $0xFFFFC000  }
0xde: {  	_ =	swait.ge [sflag:s0], $0x4000  }
0xdf: {  	[sflag:s0] =	ssyncset.done $0x0  }
0xe0: {  	s13 =	rddreg [dreg:$0xd];
	[sflag:s0] =	ssyncadd.s32 $0xFFFFC000  }
0xe1: {  	[hbm:s13], [sflag:s3] =	dma.local [spmem:s4], $0x800  }
0xe2: {  	_ =	swait.ge [sflag:s23], $0x800  }
0xe3: {  	[sflag:s23] =	ssyncset.done $0x0  }
0xe4: {  	[sflag:s23] =	ssyncadd.s32 $0xFFFFF800  }
0xe5: {  	[spmem:s7] =	stream.linear.scatter [tilespmem:s24], [sflag:$0x4], $0x4000, $0x38;
	[tilespmem:$0x1E400] =	vst v63  }
0xe6: {  	_ =	swait.ge [sflag:s2], $0x4000  }
0xe7: {  	[sflag:s2] =	ssyncset.done $0x0  }
0xe8: {  	s14 =	rddreg [dreg:$0xe];
	[sflag:s2] =	ssyncadd.s32 $0xFFFFC000  }
0xe9: {  	[hbm:s14], [sflag:s8] =	dma.local [spmem:s9], $0x800  }
0xea: {  	_ =	swait.ge [sflag:s31], $0x800  }
0xeb: {  	[sflag:s31] =	ssyncset.done $0x0  }
0xec: {  	[sflag:s31] =	ssyncadd.s32 $0xFFFFF800  }
0xed: {  	_ =	swait.ge [sflag:s23], $0x800  }
0xee: {  	s28 =	sadd.s32 $0x1, s28;
	s15 =	rddreg [dreg:$0xf]  }
0xef: {  	p0 =	sne.s32 s28, s15  }
.Ltmp1:
0xf0: {  	_ = 	snop;
	(pc) =	sbr.rel @p0 .LBB2_1-.Ltmp1, $3  }
0xf1: {  	_ =	sdelay $0x1  }
0xf2: {  	[sflag:s23] =	ssyncset.done $0x0  }
0xf3: {  	[sflag:s23] =	ssyncadd.s32 $0xFFFFF800  }
0xf4: {  	_ =	sfence.sel $0x180000  }
0xf5: {  	[bflag:$0x0] =	sbarrier.arrive $0xFFFF  }
0xf6: {  	_ =	strace $0x90000047  }
0xf7: {  	s0 =	stileid.u32;
	[bflag:$0x2] =	sbarrier.arrive $0xFFFF  }
0xf8: {  	p0 =	sne.s32 s0, $0x0;
	s0 =	rddreg [dreg:$0x4]  }
0xf9: {  	s0 =	sadd.s32 @!p0 $0x100000, s0  }
0xfa: {  	[sflag:s0] =	ssyncadd.tile.s32 @!p0 $0x1;
	_ =	shalt  }
.Lfunc_end2:
_tile_overlayer_lowered:
.L_overlay_start_2:
0xfb: {  	(tag) =	ssettag $0x2  }
0xfc: {  	s0 =	rddreg [dreg:$0x0];
	s2 =	stileid.u32  }
0xfd: {  	s1 =	rddreg [dreg:$0x1];
	p0 =	sne.s32 s2, $0x0  }
0xfe: {  	s3 =	rddreg [dreg:$0x2];
	[bflag:$0x3] =	sbarrier.arrive $0xFFFF;
	s2 =	simm.s32 @!p0 $0x1C0B  }
0xff: {  	[timem:s3], [sflag:s2] =	dma.local @!p0 [hbm:s0], s1  }
0x100: {  	s0 =	simm.s32 @!p0 $0xB  }
0x101: {  	_ =	swait.ge @!p0 [sflag:s0], s1  }
0x102: {  	s1 =	ssub.s32 @!p0 $0x0, s1;
	[sflag:s0] =	ssyncset.done @!p0 $0x0  }
0x103: {  	[sflag:s0] =	ssyncadd.s32 @!p0 s1  }
0x104: {  	[bflag:$0x3] =	sbarrier.arrive $0xFFFF  }
0x105: {  	_ =	shalt  }

</sc_bundles>
